<compile_context>
chip_gen: v7x
topology: tpu7x:2x2x1
jax: 0.10.2.dev20260603
libtpu: 0.0.44.dev20260713+nightly
codegen_flags: <defaults>
</compile_context>

<pallas_src>
import functools

import jax
import jax.numpy as jnp
from jax import lax
from jax.experimental import pallas as pl
from jax.experimental.pallas import tpu as pltpu
from jax.experimental.pallas import tpu_sc as plsc

N_NODES = 10000
N_EDGES = 320000
D = 128

CHUNK = 128
NC = 2
NS = 16
NW = NC * NS
EPW = N_EDGES // NW
NCH = EPW // CHUNK
TAIL = EPW - NCH * CHUNK
N_PAD = 10112
ROWS_PER_TILE = N_PAD // NS
NZ = 5


@functools.partial(
    pl.kernel,
    out_type=jax.ShapeDtypeStruct((NC, N_PAD, D), jnp.float32),
    mesh=plsc.VectorSubcoreMesh(core_axis_name="c", subcore_axis_name="s"),
    scratch_types=[
        pltpu.VMEM((EPW,), jnp.int32),
        pltpu.VMEM((CHUNK,), jnp.int32),
        pltpu.VMEM((CHUNK,), jnp.int32),
        pltpu.VMEM((TAIL,), jnp.int32),
        pltpu.VMEM((CHUNK, D), jnp.float32),
        pltpu.VMEM((CHUNK, D), jnp.float32),
        pltpu.VMEM_SHARED((N_PAD, D), jnp.float32),
        pltpu.SemaphoreType.DMA,
        pltpu.SemaphoreType.DMA,
        pltpu.SemaphoreType.DMA,
        pltpu.SemaphoreType.DMA,
        pltpu.SemaphoreType.DMA,
        pltpu.SemaphoreType.DMA,
    ],
)
def _sc_aggregate(src_hbm, dst_hbm, h_hbm, out_hbm,
                  src_v, dst0, dst1, dstt, rows0, rows1, acc_sh,
                  gsem0, gsem1, dsem0, dsem1, zsem, tsem):
    cid = lax.axis_index("c")
    sid = lax.axis_index("s")
    wid = sid * NC + cid
    ebase = wid * EPW

    zvec = jnp.zeros((16,), jnp.float32)

    def zfill(r, carry):
        for q in range(8):
            rows1[r, pl.ds(q * 16, 16)] = zvec
        return carry

    lax.fori_loop(0, CHUNK, zfill, 0)

    for k in range(NZ - 1):
        pltpu.async_copy(
            rows1, acc_sh.at[pl.ds(sid * ROWS_PER_TILE + k * CHUNK, CHUNK)], zsem)
    last = ROWS_PER_TILE - (NZ - 1) * CHUNK
    pltpu.async_copy(
        rows1.at[pl.ds(0, last)],
        acc_sh.at[pl.ds(sid * ROWS_PER_TILE + (NZ - 1) * CHUNK, last)], zsem)

    pltpu.sync_copy(src_hbm.at[pl.ds(ebase, EPW)], src_v)

    dsts = (dst0, dst1)
    dsems = (dsem0, dsem1)
    rows = (rows0, rows1)
    gsems = (gsem0, gsem1)

    def fire_dst(c, b):
        pltpu.async_copy(dst_hbm.at[pl.ds(ebase + c * CHUNK, CHUNK)], dsts[b], dsems[b])

    def fire_gather(c, b):
        pltpu.async_copy(h_hbm.at[src_v.at[pl.ds(c * CHUNK, CHUNK)]], rows[b], gsems[b])

    def wait_dst(c, b):
        pltpu.make_async_copy(
            dst_hbm.at[pl.ds(ebase + c * CHUNK, CHUNK)], dsts[b], dsems[b]).wait()

    def wait_gather(c, b):
        pltpu.make_async_copy(
            h_hbm.at[src_v.at[pl.ds(c * CHUNK, CHUNK)]], rows[b], gsems[b]).wait()

    fire_dst(0, 0)
    fire_dst(1, 1)
    fire_gather(0, 0)
    pltpu.async_copy(dst_hbm.at[pl.ds(ebase + NCH * CHUNK, TAIL)], dstt, tsem)

    for k in range(NZ - 1):
        pltpu.make_async_copy(
            rows1, acc_sh.at[pl.ds(sid * ROWS_PER_TILE, CHUNK)], zsem).wait()
    pltpu.make_async_copy(
        rows1.at[pl.ds(0, last)],
        acc_sh.at[pl.ds(sid * ROWS_PER_TILE, last)], zsem).wait()
    plsc.subcore_barrier()

    def body(j, carry):
        c0 = 2 * j
        c1 = 2 * j + 1
        fire_gather(c1, 1)
        wait_gather(c0, 0)
        wait_dst(c0, 0)
        pltpu.sync_copy(rows0, acc_sh.at[dst0], add=True)

        @pl.when(c1 + 1 < NCH)
        def _():
            fire_dst(c0 + 2, 0)
            fire_gather(c1 + 1, 0)

        wait_gather(c1, 1)
        wait_dst(c1, 1)
        pltpu.sync_copy(rows1, acc_sh.at[dst1], add=True)

        @pl.when(c1 + 2 < NCH)
        def _():
            fire_dst(c1 + 2, 1)

        return carry

    lax.fori_loop(0, NCH // 2, body, 0)

    pltpu.make_async_copy(
        dst_hbm.at[pl.ds(ebase + NCH * CHUNK, TAIL)], dstt, tsem).wait()
    pltpu.async_copy(
        h_hbm.at[src_v.at[pl.ds(NCH * CHUNK, TAIL)]], rows0.at[pl.ds(0, TAIL)], gsem0
    ).wait()
    pltpu.sync_copy(rows0.at[pl.ds(0, TAIL)], acc_sh.at[dstt], add=True)

    plsc.subcore_barrier()

    pltpu.sync_copy(
        acc_sh.at[pl.ds(sid * ROWS_PER_TILE, ROWS_PER_TILE)],
        out_hbm.at[cid, pl.ds(sid * ROWS_PER_TILE, ROWS_PER_TILE)],
    )


BLK = 2000


def _mlp_body(scale_ref, h_ref, p_ref, w1_ref, b1_ref, w2_ref, b2_ref, o_ref):
    scale = scale_ref[0]
    z = h_ref[...] * scale + p_ref[0] + p_ref[1]
    z = jnp.dot(z, w1_ref[...], preferred_element_type=jnp.float32) + b1_ref[...]
    z = jnp.maximum(z, 0.0)
    z = jnp.dot(z, w2_ref[...], preferred_element_type=jnp.float32) + b2_ref[...]
    o_ref[...] = jnp.maximum(z, 0.0)


_tc_mlp = pl.pallas_call(
    _mlp_body,
    grid=(N_NODES // BLK,),
    in_specs=[
        pl.BlockSpec(memory_space=pltpu.SMEM),
        pl.BlockSpec((BLK, D), lambda i: (i, 0)),
        pl.BlockSpec((NC, BLK, D), lambda i: (0, i, 0)),
        pl.BlockSpec((D, D), lambda i: (0, 0)),
        pl.BlockSpec((1, D), lambda i: (0, 0)),
        pl.BlockSpec((D, D), lambda i: (0, 0)),
        pl.BlockSpec((1, D), lambda i: (0, 0)),
    ],
    out_specs=pl.BlockSpec((BLK, D), lambda i: (i, 0)),
    out_shape=jax.ShapeDtypeStruct((N_NODES, D), jnp.float32),
)


def _gin_layer(h, src, dst, eps, W1, b1, W2, b2):
    parts = _sc_aggregate(src, dst, h)
    scale = (1.0 + eps).reshape((1,)).astype(jnp.float32)
    return _tc_mlp(scale, h, parts, W1, b1.reshape(1, D), W2, b2.reshape(1, D))


def kernel(x, edge_index, eps0, W1_0, b1_0, W2_0, b2_0, eps1, W1_1, b1_1, W2_1, b2_1):
    src = edge_index[0]
    dst = edge_index[1]
    h = _gin_layer(x, src, dst, eps0, W1_0, b1_0, W2_0, b2_0)
    h = _gin_layer(h, src, dst, eps1, W1_1, b1_1, W2_1, b2_1)
    return h

# --- scband reference (transcript-rebuilt; emitter-appended) ---
"""Pipeline reference for scband-gnnmodel-13202729468198 (READ-ONLY COPY).

The authoritative reference and input builder live on the scoring server;
editing this copy changes nothing except your own understanding.
"""

import jax, jax.numpy as jnp
import numpy as np

N_NODES = 10000
N_EDGES = 320000
D_IN = 128
HIDDEN = 128


def setup_inputs(seed: int = 0) -> dict:
    key = jax.random.key(seed)
    ks = jax.random.split(key, 12)
    x = jax.random.normal(ks[0], (N_NODES, D_IN), dtype=jnp.float32)
    edge_index = jax.random.randint(ks[1], (2, N_EDGES), 0, N_NODES, dtype=jnp.int32)
    # GIN layer 0 params (MLP: Linear(128->128), ReLU, Linear(128->128)) + learnable eps
    eps0 = jnp.zeros((), dtype=jnp.float32)
    W1_0 = jax.random.normal(ks[2], (D_IN, HIDDEN), dtype=jnp.float32) * 0.05
    b1_0 = jnp.zeros((HIDDEN,), dtype=jnp.float32)
    W2_0 = jax.random.normal(ks[3], (HIDDEN, HIDDEN), dtype=jnp.float32) * 0.05
    b2_0 = jnp.zeros((HIDDEN,), dtype=jnp.float32)
    # GIN layer 1 params
    eps1 = jnp.zeros((), dtype=jnp.float32)
    W1_1 = jax.random.normal(ks[4], (HIDDEN, HIDDEN), dtype=jnp.float32) * 0.05
    b1_1 = jnp.zeros((HIDDEN,), dtype=jnp.float32)
    W2_1 = jax.random.normal(ks[5], (HIDDEN, HIDDEN), dtype=jnp.float32) * 0.05
    b2_1 = jnp.zeros((HIDDEN,), dtype=jnp.float32)
    return {
        "x": x, "edge_index": edge_index,
        "eps0": eps0, "W1_0": W1_0, "b1_0": b1_0, "W2_0": W2_0, "b2_0": b2_0,
        "eps1": eps1, "W1_1": W1_1, "b1_1": b1_1, "W2_1": W2_1, "b2_1": b2_1,
    }


def reference(x, edge_index, eps0, W1_0, b1_0, W2_0, b2_0, eps1, W1_1, b1_1, W2_1, b2_1):
    # GINConv (train_eps=True): out = MLP((1+eps)*x_i + sum_{j in N(i)} x_j)
    # PyG convention: edge_index[0]=source, edge_index[1]=target; messages aggregated at target.
    src = edge_index[0]
    dst = edge_index[1]

    def gin_layer(h, eps, W1, b1, W2, b2):
        msgs = jnp.take(h, src, axis=0)                       # gather: [E, d]
        agg = jax.ops.segment_sum(msgs, dst, num_segments=N_NODES)  # scatter-add: [N, d]
        z = (1.0 + eps) * h + agg
        z = jnp.maximum(jnp.dot(z, W1) + b1, 0.0)
        z = jnp.dot(z, W2) + b2
        return z

    h = gin_layer(x, eps0, W1_0, b1_0, W2_0, b2_0)
    h = jnp.maximum(h, 0.0)  # F.relu; dropout is identity in eval mode
    h = gin_layer(h, eps1, W1_1, b1_1, W2_1, b2_1)
    h = jnp.maximum(h, 0.0)
    return h

if __name__ == "__main__":
    import jax
    _d = setup_inputs()
    print(jax.jit(kernel)(*tuple(_d.values())))

</pallas_src>

<mosaic_0001>
#map = affine_map<(d0, d1) -> (0)>
#map1 = affine_map<(d0, d1) -> (0, 0)>
#map2 = affine_map<(d0, d1) -> (0, 0, 0)>
module attributes {stable_mosaic.version = 14 : i64} {
  func.func @_sc_aggregate(%arg0: i32, %arg1: i32, %arg2: memref<320000xi32, #tpu.memory_space<hbm>>, %arg3: memref<320000xi32, #tpu.memory_space<hbm>>, %arg4: memref<10000x128xf32, #tpu.memory_space<hbm>>, %arg5: memref<2x10112x128xf32, #tpu.memory_space<hbm>>, %arg6: memref<10000xi32, #tpu.memory_space<vmem>>, %arg7: memref<128xi32, #tpu.memory_space<vmem>>, %arg8: memref<128xi32, #tpu.memory_space<vmem>>, %arg9: memref<16xi32, #tpu.memory_space<vmem>>, %arg10: memref<128x128xf32, #tpu.memory_space<vmem>>, %arg11: memref<128x128xf32, #tpu.memory_space<vmem>>, %arg12: memref<10112x128xf32, #tpu.memory_space<vmem_shared>>, %arg13: memref<!tpu.dma_semaphore, #tpu.memory_space<semaphore_mem>>, %arg14: memref<!tpu.dma_semaphore, #tpu.memory_space<semaphore_mem>>, %arg15: memref<!tpu.dma_semaphore, #tpu.memory_space<semaphore_mem>>, %arg16: memref<!tpu.dma_semaphore, #tpu.memory_space<semaphore_mem>>, %arg17: memref<!tpu.dma_semaphore, #tpu.memory_space<semaphore_mem>>, %arg18: memref<!tpu.dma_semaphore, #tpu.memory_space<semaphore_mem>>) attributes {dimension_semantics = [#tpu.dimension_semantics<core_parallel>, #tpu.dimension_semantics<subcore_parallel>], iteration_bounds = array<i64: 2, 16>, scalar_prefetch = 0 : i64, scratch_operands = 13 : i64, tpu.core_type = #tpu.core_type<sc_vector_subcore>, window_params = [{transform_indices = #map}, {transform_indices = #map}, {transform_indices = #map1}, {transform_indices = #map2}]} {
    %mul3A = arith.constant 2 : i32
    %mul3A_0 = arith.muli %arg1, %mul3A : i32
    %add3A = arith.addi %mul3A_0, %arg0 : i32
    %mul3A_1 = arith.constant 10000 : i32
    %mul3A_2 = arith.muli %add3A, %mul3A_1 : i32
    %broadcast_in_dim3A = arith.constant 0.000000e+00 : f32
    %broadcast_in_dim3A_3 = vector.broadcast %broadcast_in_dim3A : f32 to vector<16xf32>
    %scan3A = arith.constant 0 : i32
    %scan3A_4 = arith.constant 0 : i32
    %scan3A_5 = arith.constant 128 : i32
    %scan3A_6 = arith.addi %scan3A_4, %scan3A_5 : i32
    %scan3A_7 = arith.constant 1 : i32
    scf.for %scan3A_137 = %scan3A_4 to %scan3A_6 step %scan3A_7  : i32 {
      %swap3A = arith.index_cast %scan3A_137 : i32 to index
      %swap3A_138 = arith.constant 0 : index
      %swap3A_139 = tpu.vector_load %arg11[%swap3A, %swap3A_138] {strides = array<i32>} : memref<128x128xf32, #tpu.memory_space<vmem>>, vector<1x16xf32>,
      %swap3A_140 = vector.shape_cast %swap3A_139 : vector<1x16xf32> to vector<16xf32>
      %swap3A_141 = vector.shape_cast %broadcast_in_dim3A_3 : vector<16xf32> to vector<1x16xf32>
      tpu.vector_store %arg11[%swap3A, %swap3A_138], %swap3A_141 {strides = array<i32>} : memref<128x128xf32, #tpu.memory_space<vmem>>, vector<1x16xf32>,
      %swap3A_142 = arith.index_cast %scan3A_137 : i32 to index
      %swap3A_143 = arith.constant 16 : index
      %swap3A_144 = tpu.vector_load %arg11[%swap3A_142, %swap3A_143] {strides = array<i32>} : memref<128x128xf32, #tpu.memory_space<vmem>>, vector<1x16xf32>,
      %swap3A_145 = vector.shape_cast %swap3A_144 : vector<1x16xf32> to vector<16xf32>
      %swap3A_146 = vector.shape_cast %broadcast_in_dim3A_3 : vector<16xf32> to vector<1x16xf32>
      tpu.vector_store %arg11[%swap3A_142, %swap3A_143], %swap3A_146 {strides = array<i32>} : memref<128x128xf32, #tpu.memory_space<vmem>>, vector<1x16xf32>,
      %swap3A_147 = arith.index_cast %scan3A_137 : i32 to index
      %swap3A_148 = arith.constant 32 : index
      %swap3A_149 = tpu.vector_load %arg11[%swap3A_147, %swap3A_148] {strides = array<i32>} : memref<128x128xf32, #tpu.memory_space<vmem>>, vector<1x16xf32>,
      %swap3A_150 = vector.shape_cast %swap3A_149 : vector<1x16xf32> to vector<16xf32>
      %swap3A_151 = vector.shape_cast %broadcast_in_dim3A_3 : vector<16xf32> to vector<1x16xf32>
      tpu.vector_store %arg11[%swap3A_147, %swap3A_148], %swap3A_151 {strides = array<i32>} : memref<128x128xf32, #tpu.memory_space<vmem>>, vector<1x16xf32>,
      %swap3A_152 = arith.index_cast %scan3A_137 : i32 to index
      %swap3A_153 = arith.constant 48 : index
      %swap3A_154 = tpu.vector_load %arg11[%swap3A_152, %swap3A_153] {strides = array<i32>} : memref<128x128xf32, #tpu.memory_space<vmem>>, vector<1x16xf32>,
      %swap3A_155 = vector.shape_cast %swap3A_154 : vector<1x16xf32> to vector<16xf32>
      %swap3A_156 = vector.shape_cast %broadcast_in_dim3A_3 : vector<16xf32> to vector<1x16xf32>
      tpu.vector_store %arg11[%swap3A_152, %swap3A_153], %swap3A_156 {strides = array<i32>} : memref<128x128xf32, #tpu.memory_space<vmem>>, vector<1x16xf32>,
      %swap3A_157 = arith.index_cast %scan3A_137 : i32 to index
      %swap3A_158 = arith.constant 64 : index
      %swap3A_159 = tpu.vector_load %arg11[%swap3A_157, %swap3A_158] {strides = array<i32>} : memref<128x128xf32, #tpu.memory_space<vmem>>, vector<1x16xf32>,
      %swap3A_160 = vector.shape_cast %swap3A_159 : vector<1x16xf32> to vector<16xf32>
      %swap3A_161 = vector.shape_cast %broadcast_in_dim3A_3 : vector<16xf32> to vector<1x16xf32>
      tpu.vector_store %arg11[%swap3A_157, %swap3A_158], %swap3A_161 {strides = array<i32>} : memref<128x128xf32, #tpu.memory_space<vmem>>, vector<1x16xf32>,
      %swap3A_162 = arith.index_cast %scan3A_137 : i32 to index
      %swap3A_163 = arith.constant 80 : index
      %swap3A_164 = tpu.vector_load %arg11[%swap3A_162, %swap3A_163] {strides = array<i32>} : memref<128x128xf32, #tpu.memory_space<vmem>>, vector<1x16xf32>,
      %swap3A_165 = vector.shape_cast %swap3A_164 : vector<1x16xf32> to vector<16xf32>
      %swap3A_166 = vector.shape_cast %broadcast_in_dim3A_3 : vector<16xf32> to vector<1x16xf32>
      tpu.vector_store %arg11[%swap3A_162, %swap3A_163], %swap3A_166 {strides = array<i32>} : memref<128x128xf32, #tpu.memory_space<vmem>>, vector<1x16xf32>,
      %swap3A_167 = arith.index_cast %scan3A_137 : i32 to index
      %swap3A_168 = arith.constant 96 : index
      %swap3A_169 = tpu.vector_load %arg11[%swap3A_167, %swap3A_168] {strides = array<i32>} : memref<128x128xf32, #tpu.memory_space<vmem>>, vector<1x16xf32>,
      %swap3A_170 = vector.shape_cast %swap3A_169 : vector<1x16xf32> to vector<16xf32>
      %swap3A_171 = vector.shape_cast %broadcast_in_dim3A_3 : vector<16xf32> to vector<1x16xf32>
      tpu.vector_store %arg11[%swap3A_167, %swap3A_168], %swap3A_171 {strides = array<i32>} : memref<128x128xf32, #tpu.memory_space<vmem>>, vector<1x16xf32>,
      %swap3A_172 = arith.index_cast %scan3A_137 : i32 to index
      %swap3A_173 = arith.constant 112 : index
      %swap3A_174 = tpu.vector_load %arg11[%swap3A_172, %swap3A_173] {strides = array<i32>} : memref<128x128xf32, #tpu.memory_space<vmem>>, vector<1x16xf32>,
      %swap3A_175 = vector.shape_cast %swap3A_174 : vector<1x16xf32> to vector<16xf32>
      %swap3A_176 = vector.shape_cast %broadcast_in_dim3A_3 : vector<16xf32> to vector<1x16xf32>
      tpu.vector_store %arg11[%swap3A_172, %swap3A_173], %swap3A_176 {strides = array<i32>} : memref<128x128xf32, #tpu.memory_space<vmem>>, vector<1x16xf32>,
    }
    %scan3A_8 = arith.constant 128 : i32
    %mul3A_9 = arith.constant 632 : i32
    %mul3A_10 = arith.muli %arg1, %mul3A_9 : i32
    %add3A_11 = arith.constant 0 : i32
    %add3A_12 = arith.addi %mul3A_10, %add3A_11 : i32
    %dma_start3A = arith.constant 0 : i32
    %dma_start3A_13 = tpu.memref_slice %arg12[%add3A_12, %dma_start3A] : memref<10112x128xf32, #tpu.memory_space<vmem_shared>> -> memref<128x128xf32, #tpu.memory_space<vmem_shared>>
    %dma_start3A_14 = arith.constant 0 : i32
    %dma_start3A_15 = tpu.memref_slice %arg12[%add3A_12, %dma_start3A_14] : memref<10112x128xf32, #tpu.memory_space<vmem_shared>> -> memref<128x128xf32, #tpu.memory_space<vmem_shared>>
    tpu.enqueue_dma source(%arg11 : memref<128x128xf32, #tpu.memory_space<vmem>>) target(%dma_start3A_15 : memref<128x128xf32, #tpu.memory_space<vmem_shared>>) target_semaphore(%arg17 : memref<!tpu.dma_semaphore, #tpu.memory_space<semaphore_mem>>)
    %mul3A_16 = arith.constant 632 : i32
    %mul3A_17 = arith.muli %arg1, %mul3A_16 : i32
    %add3A_18 = arith.constant 128 : i32
    %add3A_19 = arith.addi %mul3A_17, %add3A_18 : i32
    %dma_start3A_20 = arith.constant 0 : i32
    %dma_start3A_21 = tpu.memref_slice %arg12[%add3A_19, %dma_start3A_20] : memref<10112x128xf32, #tpu.memory_space<vmem_shared>> -> memref<128x128xf32, #tpu.memory_space<vmem_shared>>
    %dma_start3A_22 = arith.constant 0 : i32
    %dma_start3A_23 = tpu.memref_slice %arg12[%add3A_19, %dma_start3A_22] : memref<10112x128xf32, #tpu.memory_space<vmem_shared>> -> memref<128x128xf32, #tpu.memory_space<vmem_shared>>
    tpu.enqueue_dma source(%arg11 : memref<128x128xf32, #tpu.memory_space<vmem>>) target(%dma_start3A_23 : memref<128x128xf32, #tpu.memory_space<vmem_shared>>) target_semaphore(%arg17 : memref<!tpu.dma_semaphore, #tpu.memory_space<semaphore_mem>>)
    %mul3A_24 = arith.constant 632 : i32
    %mul3A_25 = arith.muli %arg1, %mul3A_24 : i32
    %add3A_26 = arith.constant 256 : i32
    %add3A_27 = arith.addi %mul3A_25, %add3A_26 : i32
    %dma_start3A_28 = arith.constant 0 : i32
    %dma_start3A_29 = tpu.memref_slice %arg12[%add3A_27, %dma_start3A_28] : memref<10112x128xf32, #tpu.memory_space<vmem_shared>> -> memref<128x128xf32, #tpu.memory_space<vmem_shared>>
    %dma_start3A_30 = arith.constant 0 : i32
    %dma_start3A_31 = tpu.memref_slice %arg12[%add3A_27, %dma_start3A_30] : memref<10112x128xf32, #tpu.memory_space<vmem_shared>> -> memref<128x128xf32, #tpu.memory_space<vmem_shared>>
    tpu.enqueue_dma source(%arg11 : memref<128x128xf32, #tpu.memory_space<vmem>>) target(%dma_start3A_31 : memref<128x128xf32, #tpu.memory_space<vmem_shared>>) target_semaphore(%arg17 : memref<!tpu.dma_semaphore, #tpu.memory_space<semaphore_mem>>)
    %mul3A_32 = arith.constant 632 : i32
    %mul3A_33 = arith.muli %arg1, %mul3A_32 : i32
    %add3A_34 = arith.constant 384 : i32
    %add3A_35 = arith.addi %mul3A_33, %add3A_34 : i32
    %dma_start3A_36 = arith.constant 0 : i32
    %dma_start3A_37 = tpu.memref_slice %arg12[%add3A_35, %dma_start3A_36] : memref<10112x128xf32, #tpu.memory_space<vmem_shared>> -> memref<128x128xf32, #tpu.memory_space<vmem_shared>>
    %dma_start3A_38 = arith.constant 0 : i32
    %dma_start3A_39 = tpu.memref_slice %arg12[%add3A_35, %dma_start3A_38] : memref<10112x128xf32, #tpu.memory_space<vmem_shared>> -> memref<128x128xf32, #tpu.memory_space<vmem_shared>>
    tpu.enqueue_dma source(%arg11 : memref<128x128xf32, #tpu.memory_space<vmem>>) target(%dma_start3A_39 : memref<128x128xf32, #tpu.memory_space<vmem_shared>>) target_semaphore(%arg17 : memref<!tpu.dma_semaphore, #tpu.memory_space<semaphore_mem>>)
    %mul3A_40 = arith.constant 632 : i32
    %mul3A_41 = arith.muli %arg1, %mul3A_40 : i32
    %add3A_42 = arith.constant 512 : i32
    %add3A_43 = arith.addi %mul3A_41, %add3A_42 : i32
    %dma_start3A_44 = arith.constant 0 : i32
    %dma_start3A_45 = arith.constant 0 : i32
    %dma_start3A_46 = tpu.memref_slice %arg11[%dma_start3A_44, %dma_start3A_45] : memref<128x128xf32, #tpu.memory_space<vmem>> -> memref<120x128xf32, #tpu.memory_space<vmem>>
    %dma_start3A_47 = arith.constant 0 : i32
    %dma_start3A_48 = tpu.memref_slice %arg12[%add3A_43, %dma_start3A_47] : memref<10112x128xf32, #tpu.memory_space<vmem_shared>> -> memref<120x128xf32, #tpu.memory_space<vmem_shared>>
    %dma_start3A_49 = arith.constant 0 : i32
    %dma_start3A_50 = tpu.memref_slice %arg12[%add3A_43, %dma_start3A_49] : memref<10112x128xf32, #tpu.memory_space<vmem_shared>> -> memref<120x128xf32, #tpu.memory_space<vmem_shared>>
    %dma_start3A_51 = arith.constant 0 : i32
    %dma_start3A_52 = arith.constant 0 : i32
    %dma_start3A_53 = tpu.memref_slice %arg11[%dma_start3A_51, %dma_start3A_52] : memref<128x128xf32, #tpu.memory_space<vmem>> -> memref<120x128xf32, #tpu.memory_space<vmem>>
    tpu.enqueue_dma source(%dma_start3A_53 : memref<120x128xf32, #tpu.memory_space<vmem>>) target(%dma_start3A_50 : memref<120x128xf32, #tpu.memory_space<vmem_shared>>) target_semaphore(%arg17 : memref<!tpu.dma_semaphore, #tpu.memory_space<semaphore_mem>>)
    "tpu.region"() ({
      %run_scoped3A = tpu.sem_alloc : memref<!tpu.dma_semaphore, #tpu.memory_space<semaphore_mem>>
      %dma_start3A_137 = tpu.memref_slice %arg2[%mul3A_2] : memref<320000xi32, #tpu.memory_space<hbm>> -> memref<10000xi32, #tpu.memory_space<hbm>>
      %dma_start3A_138 = tpu.memref_slice %arg2[%mul3A_2] : memref<320000xi32, #tpu.memory_space<hbm>> -> memref<10000xi32, #tpu.memory_space<hbm>>
      tpu.enqueue_dma source(%dma_start3A_138 : memref<10000xi32, #tpu.memory_space<hbm>>) target(%arg6 : memref<10000xi32, #tpu.memory_space<vmem>>) target_semaphore(%run_scoped3A : memref<!tpu.dma_semaphore, #tpu.memory_space<semaphore_mem>>)
      %dma_wait3A_139 = tpu.memref_slice %arg2[%mul3A_2] : memref<320000xi32, #tpu.memory_space<hbm>> -> memref<10000xi32, #tpu.memory_space<hbm>>
      %dma_wait3A_140 = tpu.memref_slice %arg2[%mul3A_2] : memref<320000xi32, #tpu.memory_space<hbm>> -> memref<10000xi32, #tpu.memory_space<hbm>>
      tpu.wait_dma2 semaphore(%run_scoped3A : memref<!tpu.dma_semaphore, #tpu.memory_space<semaphore_mem>>) src(%dma_wait3A_140 : memref<10000xi32, #tpu.memory_space<hbm>>) dst(%arg6 : memref<10000xi32, #tpu.memory_space<vmem>>)
      tpu.yield
    }) : () -> ()
    %add3A_54 = arith.constant 0 : i32
    %add3A_55 = arith.addi %mul3A_2, %add3A_54 : i32
    %dma_start3A_56 = tpu.memref_slice %arg3[%add3A_55] : memref<320000xi32, #tpu.memory_space<hbm>> -> memref<128xi32, #tpu.memory_space<hbm>>
    %dma_start3A_57 = tpu.memref_slice %arg3[%add3A_55] : memref<320000xi32, #tpu.memory_space<hbm>> -> memref<128xi32, #tpu.memory_space<hbm>>
    tpu.enqueue_dma source(%dma_start3A_57 : memref<128xi32, #tpu.memory_space<hbm>>) target(%arg7 : memref<128xi32, #tpu.memory_space<vmem>>) target_semaphore(%arg15 : memref<!tpu.dma_semaphore, #tpu.memory_space<semaphore_mem>>)
    %add3A_58 = arith.constant 128 : i32
    %add3A_59 = arith.addi %mul3A_2, %add3A_58 : i32
    %dma_start3A_60 = tpu.memref_slice %arg3[%add3A_59] : memref<320000xi32, #tpu.memory_space<hbm>> -> memref<128xi32, #tpu.memory_space<hbm>>
    %dma_start3A_61 = tpu.memref_slice %arg3[%add3A_59] : memref<320000xi32, #tpu.memory_space<hbm>> -> memref<128xi32, #tpu.memory_space<hbm>>
    tpu.enqueue_dma source(%dma_start3A_61 : memref<128xi32, #tpu.memory_space<hbm>>) target(%arg8 : memref<128xi32, #tpu.memory_space<vmem>>) target_semaphore(%arg16 : memref<!tpu.dma_semaphore, #tpu.memory_space<semaphore_mem>>)
    %dma_start3A_62 = arith.constant 0 : i32
    %dma_start3A_63 = tpu.memref_slice %arg6[%dma_start3A_62] : memref<10000xi32, #tpu.memory_space<vmem>> -> memref<128xi32, #tpu.memory_space<vmem>>
    %dma_start3A_64 = arith.constant 0 : i32
    %dma_start3A_65 = arith.constant 0 : i32
    %dma_start3A_66 = tpu.memref_slice %arg4[%dma_start3A_64, %dma_start3A_65] : memref<10000x128xf32, #tpu.memory_space<hbm>> -> memref<10000x128xf32, #tpu.memory_space<hbm>>
    tpu.enqueue_indirect_dma source(%dma_start3A_66 : memref<10000x128xf32, #tpu.memory_space<hbm>>) target(%arg10 : memref<128x128xf32, #tpu.memory_space<vmem>>) offsets(%dma_start3A_63 : memref<128xi32, #tpu.memory_space<vmem>>) semaphore(%arg13 : memref<!tpu.dma_semaphore, #tpu.memory_space<semaphore_mem>>)
    %add3A_67 = arith.constant 9984 : i32
    %add3A_68 = arith.addi %mul3A_2, %add3A_67 : i32
    %dma_start3A_69 = tpu.memref_slice %arg3[%add3A_68] : memref<320000xi32, #tpu.memory_space<hbm>> -> memref<16xi32, #tpu.memory_space<hbm>>
    %dma_start3A_70 = tpu.memref_slice %arg3[%add3A_68] : memref<320000xi32, #tpu.memory_space<hbm>> -> memref<16xi32, #tpu.memory_space<hbm>>
    tpu.enqueue_dma source(%dma_start3A_70 : memref<16xi32, #tpu.memory_space<hbm>>) target(%arg9 : memref<16xi32, #tpu.memory_space<vmem>>) target_semaphore(%arg18 : memref<!tpu.dma_semaphore, #tpu.memory_space<semaphore_mem>>)
    %mul3A_71 = arith.constant 632 : i32
    %mul3A_72 = arith.muli %arg1, %mul3A_71 : i32
    %dma_wait3A = arith.constant 0 : i32
    %dma_wait3A_73 = tpu.memref_slice %arg12[%mul3A_72, %dma_wait3A] : memref<10112x128xf32, #tpu.memory_space<vmem_shared>> -> memref<128x128xf32, #tpu.memory_space<vmem_shared>>
    %dma_wait3A_74 = arith.constant 0 : i32
    %dma_wait3A_75 = tpu.memref_slice %arg12[%mul3A_72, %dma_wait3A_74] : memref<10112x128xf32, #tpu.memory_space<vmem_shared>> -> memref<128x128xf32, #tpu.memory_space<vmem_shared>>
    tpu.wait_dma2 semaphore(%arg17 : memref<!tpu.dma_semaphore, #tpu.memory_space<semaphore_mem>>) src(%arg11 : memref<128x128xf32, #tpu.memory_space<vmem>>) dst(%dma_wait3A_75 : memref<128x128xf32, #tpu.memory_space<vmem_shared>>)
    %mul3A_76 = arith.constant 632 : i32
    %mul3A_77 = arith.muli %arg1, %mul3A_76 : i32
    %dma_wait3A_78 = arith.constant 0 : i32
    %dma_wait3A_79 = tpu.memref_slice %arg12[%mul3A_77, %dma_wait3A_78] : memref<10112x128xf32, #tpu.memory_space<vmem_shared>> -> memref<128x128xf32, #tpu.memory_space<vmem_shared>>
    %dma_wait3A_80 = arith.constant 0 : i32
    %dma_wait3A_81 = tpu.memref_slice %arg12[%mul3A_77, %dma_wait3A_80] : memref<10112x128xf32, #tpu.memory_space<vmem_shared>> -> memref<128x128xf32, #tpu.memory_space<vmem_shared>>
    tpu.wait_dma2 semaphore(%arg17 : memref<!tpu.dma_semaphore, #tpu.memory_space<semaphore_mem>>) src(%arg11 : memref<128x128xf32, #tpu.memory_space<vmem>>) dst(%dma_wait3A_81 : memref<128x128xf32, #tpu.memory_space<vmem_shared>>)
    %mul3A_82 = arith.constant 632 : i32
    %mul3A_83 = arith.muli %arg1, %mul3A_82 : i32
    %dma_wait3A_84 = arith.constant 0 : i32
    %dma_wait3A_85 = tpu.memref_slice %arg12[%mul3A_83, %dma_wait3A_84] : memref<10112x128xf32, #tpu.memory_space<vmem_shared>> -> memref<128x128xf32, #tpu.memory_space<vmem_shared>>
    %dma_wait3A_86 = arith.constant 0 : i32
    %dma_wait3A_87 = tpu.memref_slice %arg12[%mul3A_83, %dma_wait3A_86] : memref<10112x128xf32, #tpu.memory_space<vmem_shared>> -> memref<128x128xf32, #tpu.memory_space<vmem_shared>>
    tpu.wait_dma2 semaphore(%arg17 : memref<!tpu.dma_semaphore, #tpu.memory_space<semaphore_mem>>) src(%arg11 : memref<128x128xf32, #tpu.memory_space<vmem>>) dst(%dma_wait3A_87 : memref<128x128xf32, #tpu.memory_space<vmem_shared>>)
    %mul3A_88 = arith.constant 632 : i32
    %mul3A_89 = arith.muli %arg1, %mul3A_88 : i32
    %dma_wait3A_90 = arith.constant 0 : i32
    %dma_wait3A_91 = tpu.memref_slice %arg12[%mul3A_89, %dma_wait3A_90] : memref<10112x128xf32, #tpu.memory_space<vmem_shared>> -> memref<128x128xf32, #tpu.memory_space<vmem_shared>>
    %dma_wait3A_92 = arith.constant 0 : i32
    %dma_wait3A_93 = tpu.memref_slice %arg12[%mul3A_89, %dma_wait3A_92] : memref<10112x128xf32, #tpu.memory_space<vmem_shared>> -> memref<128x128xf32, #tpu.memory_space<vmem_shared>>
    tpu.wait_dma2 semaphore(%arg17 : memref<!tpu.dma_semaphore, #tpu.memory_space<semaphore_mem>>) src(%arg11 : memref<128x128xf32, #tpu.memory_space<vmem>>) dst(%dma_wait3A_93 : memref<128x128xf32, #tpu.memory_space<vmem_shared>>)
    %mul3A_94 = arith.constant 632 : i32
    %mul3A_95 = arith.muli %arg1, %mul3A_94 : i32
    %dma_wait3A_96 = arith.constant 0 : i32
    %dma_wait3A_97 = arith.constant 0 : i32
    %dma_wait3A_98 = tpu.memref_slice %arg11[%dma_wait3A_96, %dma_wait3A_97] : memref<128x128xf32, #tpu.memory_space<vmem>> -> memref<120x128xf32, #tpu.memory_space<vmem>>
    %dma_wait3A_99 = arith.constant 0 : i32
    %dma_wait3A_100 = tpu.memref_slice %arg12[%mul3A_95, %dma_wait3A_99] : memref<10112x128xf32, #tpu.memory_space<vmem_shared>> -> memref<120x128xf32, #tpu.memory_space<vmem_shared>>
    %dma_wait3A_101 = arith.constant 0 : i32
    %dma_wait3A_102 = tpu.memref_slice %arg12[%mul3A_95, %dma_wait3A_101] : memref<10112x128xf32, #tpu.memory_space<vmem_shared>> -> memref<120x128xf32, #tpu.memory_space<vmem_shared>>
    %dma_wait3A_103 = arith.constant 0 : i32
    %dma_wait3A_104 = arith.constant 0 : i32
    %dma_wait3A_105 = tpu.memref_slice %arg11[%dma_wait3A_103, %dma_wait3A_104] : memref<128x128xf32, #tpu.memory_space<vmem>> -> memref<120x128xf32, #tpu.memory_space<vmem>>
    tpu.wait_dma2 semaphore(%arg17 : memref<!tpu.dma_semaphore, #tpu.memory_space<semaphore_mem>>) src(%dma_wait3A_105 : memref<120x128xf32, #tpu.memory_space<vmem>>) dst(%dma_wait3A_102 : memref<120x128xf32, #tpu.memory_space<vmem_shared>>)
    %barrier3A = arith.constant 0 : index
    tpu.barrier barrier_id(%barrier3A)
    %scan3A_106 = arith.constant 0 : i32
    %scan3A_107 = arith.constant 0 : i32
    %scan3A_108 = arith.constant 39 : i32
    %scan3A_109 = arith.addi %scan3A_107, %scan3A_108 : i32
    %scan3A_110 = arith.constant 1 : i32
    scf.for %scan3A_137 = %scan3A_107 to %scan3A_109 step %scan3A_110  : i32 {
      %mul3A_138 = arith.constant 2 : i32
      %mul3A_139 = arith.muli %mul3A_138, %scan3A_137 : i32
      %mul3A_140 = arith.constant 2 : i32
      %mul3A_141 = arith.muli %mul3A_140, %scan3A_137 : i32
      %add3A_142 = arith.constant 1 : i32
      %add3A_143 = arith.addi %mul3A_141, %add3A_142 : i32
      %mul3A_144 = arith.constant 128 : i32
      %mul3A_145 = arith.muli %add3A_143, %mul3A_144 : i32
      %dma_start3A_146 = tpu.memref_slice %arg6[%mul3A_145] : memref<10000xi32, #tpu.memory_space<vmem>> -> memref<128xi32, #tpu.memory_space<vmem>>
      %dma_start3A_147 = arith.constant 0 : i32
      %dma_start3A_148 = arith.constant 0 : i32
      %dma_start3A_149 = tpu.memref_slice %arg4[%dma_start3A_147, %dma_start3A_148] : memref<10000x128xf32, #tpu.memory_space<hbm>> -> memref<10000x128xf32, #tpu.memory_space<hbm>>
      tpu.enqueue_indirect_dma source(%dma_start3A_149 : memref<10000x128xf32, #tpu.memory_space<hbm>>) target(%arg11 : memref<128x128xf32, #tpu.memory_space<vmem>>) offsets(%dma_start3A_146 : memref<128xi32, #tpu.memory_space<vmem>>) semaphore(%arg14 : memref<!tpu.dma_semaphore, #tpu.memory_space<semaphore_mem>>)
      %mul3A_150 = arith.constant 128 : i32
      %mul3A_151 = arith.muli %mul3A_139, %mul3A_150 : i32
      %dma_wait3A_152 = tpu.memref_slice %arg6[%mul3A_151] : memref<10000xi32, #tpu.memory_space<vmem>> -> memref<128xi32, #tpu.memory_space<vmem>>
      %dma_wait3A_153 = arith.constant 0 : i32
      %dma_wait3A_154 = arith.constant 0 : i32
      %dma_wait3A_155 = tpu.memref_slice %arg4[%dma_wait3A_153, %dma_wait3A_154] : memref<10000x128xf32, #tpu.memory_space<hbm>> -> memref<10000x128xf32, #tpu.memory_space<hbm>>
      tpu.wait_indirect_dma semaphore(%arg13 : memref<!tpu.dma_semaphore, #tpu.memory_space<semaphore_mem>>) src(%dma_wait3A_155 : memref<10000x128xf32, #tpu.memory_space<hbm>>) dst(%arg10 : memref<128x128xf32, #tpu.memory_space<vmem>>)
      %mul3A_156 = arith.constant 128 : i32
      %mul3A_157 = arith.muli %mul3A_139, %mul3A_156 : i32
      %add3A_158 = arith.addi %mul3A_2, %mul3A_157 : i32
      %dma_wait3A_159 = tpu.memref_slice %arg3[%add3A_158] : memref<320000xi32, #tpu.memory_space<hbm>> -> memref<128xi32, #tpu.memory_space<hbm>>
      %dma_wait3A_160 = tpu.memref_slice %arg3[%add3A_158] : memref<320000xi32, #tpu.memory_space<hbm>> -> memref<128xi32, #tpu.memory_space<hbm>>
      tpu.wait_dma2 semaphore(%arg15 : memref<!tpu.dma_semaphore, #tpu.memory_space<semaphore_mem>>) src(%dma_wait3A_160 : memref<128xi32, #tpu.memory_space<hbm>>) dst(%arg7 : memref<128xi32, #tpu.memory_space<vmem>>)
      "tpu.region"() ({
        %run_scoped3A = tpu.sem_alloc : memref<!tpu.dma_semaphore, #tpu.memory_space<semaphore_mem>>
        %dma_start3A_183 = arith.constant 0 : i32
        %dma_start3A_184 = arith.constant 0 : i32
        %dma_start3A_185 = tpu.memref_slice %arg12[%dma_start3A_183, %dma_start3A_184] : memref<10112x128xf32, #tpu.memory_space<vmem_shared>> -> memref<10112x128xf32, #tpu.memory_space<vmem_shared>>
        tpu.enqueue_indirect_dma source(%arg10 : memref<128x128xf32, #tpu.memory_space<vmem>>) target(%dma_start3A_185 : memref<10112x128xf32, #tpu.memory_space<vmem_shared>>) offsets(%arg7 : memref<128xi32, #tpu.memory_space<vmem>>) semaphore(%run_scoped3A : memref<!tpu.dma_semaphore, #tpu.memory_space<semaphore_mem>>) {add = true}
        %dma_wait3A_186 = arith.constant 0 : i32
        %dma_wait3A_187 = arith.constant 0 : i32
        %dma_wait3A_188 = tpu.memref_slice %arg12[%dma_wait3A_186, %dma_wait3A_187] : memref<10112x128xf32, #tpu.memory_space<vmem_shared>> -> memref<10112x128xf32, #tpu.memory_space<vmem_shared>>
        tpu.wait_indirect_dma semaphore(%run_scoped3A : memref<!tpu.dma_semaphore, #tpu.memory_space<semaphore_mem>>) src(%arg10 : memref<128x128xf32, #tpu.memory_space<vmem>>) dst(%dma_wait3A_188 : memref<10112x128xf32, #tpu.memory_space<vmem_shared>>)
        tpu.yield
      }) : () -> ()
      %add3A_161 = arith.constant 1 : i32
      %add3A_162 = arith.addi %add3A_143, %add3A_161 : i32
      %lt3A = arith.constant 78 : i32
      %lt3A_163 = arith.cmpi slt, %add3A_162, %lt3A : i32
      %convert_element_type3A = arith.extui %lt3A_163 : i1 to i32
      %cond3A = arith.constant 0 : i32
      %cond3A_164 = arith.cmpi ne, %convert_element_type3A, %cond3A : i32
      scf.if %cond3A_164 {
        %add3A_183 = arith.constant 2 : i32
        %add3A_184 = arith.addi %mul3A_139, %add3A_183 : i32
        %mul3A_185 = arith.constant 128 : i32
        %mul3A_186 = arith.muli %add3A_184, %mul3A_185 : i32
        %add3A_187 = arith.addi %mul3A_2, %mul3A_186 : i32
        %dma_start3A_188 = tpu.memref_slice %arg3[%add3A_187] : memref<320000xi32, #tpu.memory_space<hbm>> -> memref<128xi32, #tpu.memory_space<hbm>>
        %dma_start3A_189 = tpu.memref_slice %arg3[%add3A_187] : memref<320000xi32, #tpu.memory_space<hbm>> -> memref<128xi32, #tpu.memory_space<hbm>>
        tpu.enqueue_dma source(%dma_start3A_189 : memref<128xi32, #tpu.memory_space<hbm>>) target(%arg7 : memref<128xi32, #tpu.memory_space<vmem>>) target_semaphore(%arg15 : memref<!tpu.dma_semaphore, #tpu.memory_space<semaphore_mem>>)
        %add3A_190 = arith.constant 1 : i32
        %add3A_191 = arith.addi %add3A_143, %add3A_190 : i32
        %mul3A_192 = arith.constant 128 : i32
        %mul3A_193 = arith.muli %add3A_191, %mul3A_192 : i32
        %dma_start3A_194 = tpu.memref_slice %arg6[%mul3A_193] : memref<10000xi32, #tpu.memory_space<vmem>> -> memref<128xi32, #tpu.memory_space<vmem>>
        %dma_start3A_195 = arith.constant 0 : i32
        %dma_start3A_196 = arith.constant 0 : i32
        %dma_start3A_197 = tpu.memref_slice %arg4[%dma_start3A_195, %dma_start3A_196] : memref<10000x128xf32, #tpu.memory_space<hbm>> -> memref<10000x128xf32, #tpu.memory_space<hbm>>
        tpu.enqueue_indirect_dma source(%dma_start3A_197 : memref<10000x128xf32, #tpu.memory_space<hbm>>) target(%arg10 : memref<128x128xf32, #tpu.memory_space<vmem>>) offsets(%dma_start3A_194 : memref<128xi32, #tpu.memory_space<vmem>>) semaphore(%arg13 : memref<!tpu.dma_semaphore, #tpu.memory_space<semaphore_mem>>)
      } else {
      }
      %mul3A_165 = arith.constant 128 : i32
      %mul3A_166 = arith.muli %add3A_143, %mul3A_165 : i32
      %dma_wait3A_167 = tpu.memref_slice %arg6[%mul3A_166] : memref<10000xi32, #tpu.memory_space<vmem>> -> memref<128xi32, #tpu.memory_space<vmem>>
      %dma_wait3A_168 = arith.constant 0 : i32
      %dma_wait3A_169 = arith.constant 0 : i32
      %dma_wait3A_170 = tpu.memref_slice %arg4[%dma_wait3A_168, %dma_wait3A_169] : memref<10000x128xf32, #tpu.memory_space<hbm>> -> memref<10000x128xf32, #tpu.memory_space<hbm>>
      tpu.wait_indirect_dma semaphore(%arg14 : memref<!tpu.dma_semaphore, #tpu.memory_space<semaphore_mem>>) src(%dma_wait3A_170 : memref<10000x128xf32, #tpu.memory_space<hbm>>) dst(%arg11 : memref<128x128xf32, #tpu.memory_space<vmem>>)
      %mul3A_171 = arith.constant 128 : i32
      %mul3A_172 = arith.muli %add3A_143, %mul3A_171 : i32
      %add3A_173 = arith.addi %mul3A_2, %mul3A_172 : i32
      %dma_wait3A_174 = tpu.memref_slice %arg3[%add3A_173] : memref<320000xi32, #tpu.memory_space<hbm>> -> memref<128xi32, #tpu.memory_space<hbm>>
      %dma_wait3A_175 = tpu.memref_slice %arg3[%add3A_173] : memref<320000xi32, #tpu.memory_space<hbm>> -> memref<128xi32, #tpu.memory_space<hbm>>
      tpu.wait_dma2 semaphore(%arg16 : memref<!tpu.dma_semaphore, #tpu.memory_space<semaphore_mem>>) src(%dma_wait3A_175 : memref<128xi32, #tpu.memory_space<hbm>>) dst(%arg8 : memref<128xi32, #tpu.memory_space<vmem>>)
      "tpu.region"() ({
        %run_scoped3A = tpu.sem_alloc : memref<!tpu.dma_semaphore, #tpu.memory_space<semaphore_mem>>
        %dma_start3A_183 = arith.constant 0 : i32
        %dma_start3A_184 = arith.constant 0 : i32
        %dma_start3A_185 = tpu.memref_slice %arg12[%dma_start3A_183, %dma_start3A_184] : memref<10112x128xf32, #tpu.memory_space<vmem_shared>> -> memref<10112x128xf32, #tpu.memory_space<vmem_shared>>
        tpu.enqueue_indirect_dma source(%arg11 : memref<128x128xf32, #tpu.memory_space<vmem>>) target(%dma_start3A_185 : memref<10112x128xf32, #tpu.memory_space<vmem_shared>>) offsets(%arg8 : memref<128xi32, #tpu.memory_space<vmem>>) semaphore(%run_scoped3A : memref<!tpu.dma_semaphore, #tpu.memory_space<semaphore_mem>>) {add = true}
        %dma_wait3A_186 = arith.constant 0 : i32
        %dma_wait3A_187 = arith.constant 0 : i32
        %dma_wait3A_188 = tpu.memref_slice %arg12[%dma_wait3A_186, %dma_wait3A_187] : memref<10112x128xf32, #tpu.memory_space<vmem_shared>> -> memref<10112x128xf32, #tpu.memory_space<vmem_shared>>
        tpu.wait_indirect_dma semaphore(%run_scoped3A : memref<!tpu.dma_semaphore, #tpu.memory_space<semaphore_mem>>) src(%arg11 : memref<128x128xf32, #tpu.memory_space<vmem>>) dst(%dma_wait3A_188 : memref<10112x128xf32, #tpu.memory_space<vmem_shared>>)
        tpu.yield
      }) : () -> ()
      %add3A_176 = arith.constant 2 : i32
      %add3A_177 = arith.addi %add3A_143, %add3A_176 : i32
      %lt3A_178 = arith.constant 78 : i32
      %lt3A_179 = arith.cmpi slt, %add3A_177, %lt3A_178 : i32
      %convert_element_type3A_180 = arith.extui %lt3A_179 : i1 to i32
      %cond3A_181 = arith.constant 0 : i32
      %cond3A_182 = arith.cmpi ne, %convert_element_type3A_180, %cond3A_181 : i32
      scf.if %cond3A_182 {
        %add3A_183 = arith.constant 2 : i32
        %add3A_184 = arith.addi %add3A_143, %add3A_183 : i32
        %mul3A_185 = arith.constant 128 : i32
        %mul3A_186 = arith.muli %add3A_184, %mul3A_185 : i32
        %add3A_187 = arith.addi %mul3A_2, %mul3A_186 : i32
        %dma_start3A_188 = tpu.memref_slice %arg3[%add3A_187] : memref<320000xi32, #tpu.memory_space<hbm>> -> memref<128xi32, #tpu.memory_space<hbm>>
        %dma_start3A_189 = tpu.memref_slice %arg3[%add3A_187] : memref<320000xi32, #tpu.memory_space<hbm>> -> memref<128xi32, #tpu.memory_space<hbm>>
        tpu.enqueue_dma source(%dma_start3A_189 : memref<128xi32, #tpu.memory_space<hbm>>) target(%arg8 : memref<128xi32, #tpu.memory_space<vmem>>) target_semaphore(%arg16 : memref<!tpu.dma_semaphore, #tpu.memory_space<semaphore_mem>>)
      } else {
      }
    }
    %scan3A_111 = arith.constant 39 : i32
    %add3A_112 = arith.constant 9984 : i32
    %add3A_113 = arith.addi %mul3A_2, %add3A_112 : i32
    %dma_wait3A_114 = tpu.memref_slice %arg3[%add3A_113] : memref<320000xi32, #tpu.memory_space<hbm>> -> memref<16xi32, #tpu.memory_space<hbm>>
    %dma_wait3A_115 = tpu.memref_slice %arg3[%add3A_113] : memref<320000xi32, #tpu.memory_space<hbm>> -> memref<16xi32, #tpu.memory_space<hbm>>
    tpu.wait_dma2 semaphore(%arg18 : memref<!tpu.dma_semaphore, #tpu.memory_space<semaphore_mem>>) src(%dma_wait3A_115 : memref<16xi32, #tpu.memory_space<hbm>>) dst(%arg9 : memref<16xi32, #tpu.memory_space<vmem>>)
    %dma_start3A_116 = arith.constant 0 : i32
    %dma_start3A_117 = arith.constant 0 : i32
    %dma_start3A_118 = tpu.memref_slice %arg10[%dma_start3A_116, %dma_start3A_117] : memref<128x128xf32, #tpu.memory_space<vmem>> -> memref<16x128xf32, #tpu.memory_space<vmem>>
    %dma_start3A_119 = arith.constant 9984 : i32
    %dma_start3A_120 = tpu.memref_slice %arg6[%dma_start3A_119] : memref<10000xi32, #tpu.memory_space<vmem>> -> memref<16xi32, #tpu.memory_space<vmem>>
    %dma_start3A_121 = arith.constant 0 : i32
    %dma_start3A_122 = arith.constant 0 : i32
    %dma_start3A_123 = tpu.memref_slice %arg4[%dma_start3A_121, %dma_start3A_122] : memref<10000x128xf32, #tpu.memory_space<hbm>> -> memref<10000x128xf32, #tpu.memory_space<hbm>>
    tpu.enqueue_indirect_dma source(%dma_start3A_123 : memref<10000x128xf32, #tpu.memory_space<hbm>>) target(%dma_start3A_118 : memref<16x128xf32, #tpu.memory_space<vmem>>) offsets(%dma_start3A_120 : memref<16xi32, #tpu.memory_space<vmem>>) semaphore(%arg13 : memref<!tpu.dma_semaphore, #tpu.memory_space<semaphore_mem>>)
    %dma_wait3A_124 = arith.constant 0 : i32
    %dma_wait3A_125 = arith.constant 0 : i32
    %dma_wait3A_126 = tpu.memref_slice %arg10[%dma_wait3A_124, %dma_wait3A_125] : memref<128x128xf32, #tpu.memory_space<vmem>> -> memref<16x128xf32, #tpu.memory_space<vmem>>
    %dma_wait3A_127 = arith.constant 9984 : i32
    %dma_wait3A_128 = tpu.memref_slice %arg6[%dma_wait3A_127] : memref<10000xi32, #tpu.memory_space<vmem>> -> memref<16xi32, #tpu.memory_space<vmem>>
    %dma_wait3A_129 = arith.constant 0 : i32
    %dma_wait3A_130 = arith.constant 0 : i32
    %dma_wait3A_131 = tpu.memref_slice %arg4[%dma_wait3A_129, %dma_wait3A_130] : memref<10000x128xf32, #tpu.memory_space<hbm>> -> memref<10000x128xf32, #tpu.memory_space<hbm>>
    tpu.wait_indirect_dma semaphore(%arg13 : memref<!tpu.dma_semaphore, #tpu.memory_space<semaphore_mem>>) src(%dma_wait3A_131 : memref<10000x128xf32, #tpu.memory_space<hbm>>) dst(%dma_wait3A_126 : memref<16x128xf32, #tpu.memory_space<vmem>>)
    "tpu.region"() ({
      %run_scoped3A = tpu.sem_alloc : memref<!tpu.dma_semaphore, #tpu.memory_space<semaphore_mem>>
      %dma_start3A_137 = arith.constant 0 : i32
      %dma_start3A_138 = arith.constant 0 : i32
      %dma_start3A_139 = tpu.memref_slice %arg10[%dma_start3A_137, %dma_start3A_138] : memref<128x128xf32, #tpu.memory_space<vmem>> -> memref<16x128xf32, #tpu.memory_space<vmem>>
      %dma_start3A_140 = arith.constant 0 : i32
      %dma_start3A_141 = arith.constant 0 : i32
      %dma_start3A_142 = tpu.memref_slice %arg12[%dma_start3A_140, %dma_start3A_141] : memref<10112x128xf32, #tpu.memory_space<vmem_shared>> -> memref<10112x128xf32, #tpu.memory_space<vmem_shared>>
      tpu.enqueue_indirect_dma source(%dma_start3A_139 : memref<16x128xf32, #tpu.memory_space<vmem>>) target(%dma_start3A_142 : memref<10112x128xf32, #tpu.memory_space<vmem_shared>>) offsets(%arg9 : memref<16xi32, #tpu.memory_space<vmem>>) semaphore(%run_scoped3A : memref<!tpu.dma_semaphore, #tpu.memory_space<semaphore_mem>>) {add = true}
      %dma_wait3A_143 = arith.constant 0 : i32
      %dma_wait3A_144 = arith.constant 0 : i32
      %dma_wait3A_145 = tpu.memref_slice %arg10[%dma_wait3A_143, %dma_wait3A_144] : memref<128x128xf32, #tpu.memory_space<vmem>> -> memref<16x128xf32, #tpu.memory_space<vmem>>
      %dma_wait3A_146 = arith.constant 0 : i32
      %dma_wait3A_147 = arith.constant 0 : i32
      %dma_wait3A_148 = tpu.memref_slice %arg12[%dma_wait3A_146, %dma_wait3A_147] : memref<10112x128xf32, #tpu.memory_space<vmem_shared>> -> memref<10112x128xf32, #tpu.memory_space<vmem_shared>>
      tpu.wait_indirect_dma semaphore(%run_scoped3A : memref<!tpu.dma_semaphore, #tpu.memory_space<semaphore_mem>>) src(%dma_wait3A_145 : memref<16x128xf32, #tpu.memory_space<vmem>>) dst(%dma_wait3A_148 : memref<10112x128xf32, #tpu.memory_space<vmem_shared>>)
      tpu.yield
    }) : () -> ()
    %barrier3A_132 = arith.constant 0 : index
    tpu.barrier barrier_id(%barrier3A_132)
    %mul3A_133 = arith.constant 632 : i32
    %mul3A_134 = arith.muli %arg1, %mul3A_133 : i32
    %mul3A_135 = arith.constant 632 : i32
    %mul3A_136 = arith.muli %arg1, %mul3A_135 : i32
    "tpu.region"() ({
      %run_scoped3A = tpu.sem_alloc : memref<!tpu.dma_semaphore, #tpu.memory_space<semaphore_mem>>
      %dma_start3A_137 = arith.constant 0 : i32
      %dma_start3A_138 = tpu.memref_slice %arg5[%arg0, %mul3A_136, %dma_start3A_137] : memref<2x10112x128xf32, #tpu.memory_space<hbm>> -> memref<1x632x128xf32, #tpu.memory_space<hbm>>
      %dma_start3A_139 = tpu.memref_squeeze %dma_start3A_138 : memref<1x632x128xf32, #tpu.memory_space<hbm>> -> memref<632x128xf32, #tpu.memory_space<hbm>>
      %dma_start3A_140 = arith.constant 0 : i32
      %dma_start3A_141 = tpu.memref_slice %arg12[%mul3A_134, %dma_start3A_140] : memref<10112x128xf32, #tpu.memory_space<vmem_shared>> -> memref<632x128xf32, #tpu.memory_space<vmem_shared>>
      tpu.enqueue_dma source(%dma_start3A_141 : memref<632x128xf32, #tpu.memory_space<vmem_shared>>) target(%dma_start3A_139 : memref<632x128xf32, #tpu.memory_space<hbm>>) target_semaphore(%run_scoped3A : memref<!tpu.dma_semaphore, #tpu.memory_space<semaphore_mem>>)
      %dma_wait3A_142 = arith.constant 0 : i32
      %dma_wait3A_143 = tpu.memref_slice %arg5[%arg0, %mul3A_136, %dma_wait3A_142] : memref<2x10112x128xf32, #tpu.memory_space<hbm>> -> memref<1x632x128xf32, #tpu.memory_space<hbm>>
      %dma_wait3A_144 = tpu.memref_squeeze %dma_wait3A_143 : memref<1x632x128xf32, #tpu.memory_space<hbm>> -> memref<632x128xf32, #tpu.memory_space<hbm>>
      %dma_wait3A_145 = arith.constant 0 : i32
      %dma_wait3A_146 = tpu.memref_slice %arg12[%mul3A_134, %dma_wait3A_145] : memref<10112x128xf32, #tpu.memory_space<vmem_shared>> -> memref<632x128xf32, #tpu.memory_space<vmem_shared>>
      tpu.wait_dma2 semaphore(%run_scoped3A : memref<!tpu.dma_semaphore, #tpu.memory_space<semaphore_mem>>) src(%dma_wait3A_146 : memref<632x128xf32, #tpu.memory_space<vmem_shared>>) dst(%dma_wait3A_144 : memref<632x128xf32, #tpu.memory_space<hbm>>)
      tpu.yield
    }) : () -> ()
    return
  }
}

#map = affine_map<(d0, d1) -> (0)>
#map1 = affine_map<(d0, d1) -> (0, 0)>
#map2 = affine_map<(d0, d1) -> (0, 0, 0)>
module attributes {stable_mosaic.version = 14 : i64} {
  func.func @_sc_aggregate(%arg0: i32, %arg1: i32, %arg2: memref<320000xi32, #tpu.memory_space<hbm>>, %arg3: memref<320000xi32, #tpu.memory_space<hbm>>, %arg4: memref<10000x128xf32, #tpu.memory_space<hbm>>, %arg5: memref<2x10112x128xf32, #tpu.memory_space<hbm>>, %arg6: memref<10000xi32, #tpu.memory_space<vmem>>, %arg7: memref<128xi32, #tpu.memory_space<vmem>>, %arg8: memref<128xi32, #tpu.memory_space<vmem>>, %arg9: memref<16xi32, #tpu.memory_space<vmem>>, %arg10: memref<128x128xf32, #tpu.memory_space<vmem>>, %arg11: memref<128x128xf32, #tpu.memory_space<vmem>>, %arg12: memref<10112x128xf32, #tpu.memory_space<vmem_shared>>, %arg13: memref<!tpu.dma_semaphore, #tpu.memory_space<semaphore_mem>>, %arg14: memref<!tpu.dma_semaphore, #tpu.memory_space<semaphore_mem>>, %arg15: memref<!tpu.dma_semaphore, #tpu.memory_space<semaphore_mem>>, %arg16: memref<!tpu.dma_semaphore, #tpu.memory_space<semaphore_mem>>, %arg17: memref<!tpu.dma_semaphore, #tpu.memory_space<semaphore_mem>>, %arg18: memref<!tpu.dma_semaphore, #tpu.memory_space<semaphore_mem>>) attributes {dimension_semantics = [#tpu.dimension_semantics<core_parallel>, #tpu.dimension_semantics<subcore_parallel>], iteration_bounds = array<i64: 2, 16>, scalar_prefetch = 0 : i64, scratch_operands = 13 : i64, tpu.core_type = #tpu.core_type<sc_vector_subcore>, window_params = [{transform_indices = #map}, {transform_indices = #map}, {transform_indices = #map1}, {transform_indices = #map2}]} {
    %mul3A = arith.constant 2 : i32
    %mul3A_0 = arith.muli %arg1, %mul3A : i32
    %add3A = arith.addi %mul3A_0, %arg0 : i32
    %mul3A_1 = arith.constant 10000 : i32
    %mul3A_2 = arith.muli %add3A, %mul3A_1 : i32
    %broadcast_in_dim3A = arith.constant 0.000000e+00 : f32
    %broadcast_in_dim3A_3 = vector.broadcast %broadcast_in_dim3A : f32 to vector<16xf32>
    %scan3A = arith.constant 0 : i32
    %scan3A_4 = arith.constant 0 : i32
    %scan3A_5 = arith.constant 128 : i32
    %scan3A_6 = arith.addi %scan3A_4, %scan3A_5 : i32
    %scan3A_7 = arith.constant 1 : i32
    scf.for %scan3A_137 = %scan3A_4 to %scan3A_6 step %scan3A_7  : i32 {
      %swap3A = arith.index_cast %scan3A_137 : i32 to index
      %swap3A_138 = arith.constant 0 : index
      %swap3A_139 = tpu.vector_load %arg11[%swap3A, %swap3A_138] {strides = array<i32>} : memref<128x128xf32, #tpu.memory_space<vmem>>, vector<1x16xf32>,
      %swap3A_140 = vector.shape_cast %swap3A_139 : vector<1x16xf32> to vector<16xf32>
      %swap3A_141 = vector.shape_cast %broadcast_in_dim3A_3 : vector<16xf32> to vector<1x16xf32>
      tpu.vector_store %arg11[%swap3A, %swap3A_138], %swap3A_141 {strides = array<i32>} : memref<128x128xf32, #tpu.memory_space<vmem>>, vector<1x16xf32>,
      %swap3A_142 = arith.index_cast %scan3A_137 : i32 to index
      %swap3A_143 = arith.constant 16 : index
      %swap3A_144 = tpu.vector_load %arg11[%swap3A_142, %swap3A_143] {strides = array<i32>} : memref<128x128xf32, #tpu.memory_space<vmem>>, vector<1x16xf32>,
      %swap3A_145 = vector.shape_cast %swap3A_144 : vector<1x16xf32> to vector<16xf32>
      %swap3A_146 = vector.shape_cast %broadcast_in_dim3A_3 : vector<16xf32> to vector<1x16xf32>
      tpu.vector_store %arg11[%swap3A_142, %swap3A_143], %swap3A_146 {strides = array<i32>} : memref<128x128xf32, #tpu.memory_space<vmem>>, vector<1x16xf32>,
      %swap3A_147 = arith.index_cast %scan3A_137 : i32 to index
      %swap3A_148 = arith.constant 32 : index
      %swap3A_149 = tpu.vector_load %arg11[%swap3A_147, %swap3A_148] {strides = array<i32>} : memref<128x128xf32, #tpu.memory_space<vmem>>, vector<1x16xf32>,
      %swap3A_150 = vector.shape_cast %swap3A_149 : vector<1x16xf32> to vector<16xf32>
      %swap3A_151 = vector.shape_cast %broadcast_in_dim3A_3 : vector<16xf32> to vector<1x16xf32>
      tpu.vector_store %arg11[%swap3A_147, %swap3A_148], %swap3A_151 {strides = array<i32>} : memref<128x128xf32, #tpu.memory_space<vmem>>, vector<1x16xf32>,
      %swap3A_152 = arith.index_cast %scan3A_137 : i32 to index
      %swap3A_153 = arith.constant 48 : index
      %swap3A_154 = tpu.vector_load %arg11[%swap3A_152, %swap3A_153] {strides = array<i32>} : memref<128x128xf32, #tpu.memory_space<vmem>>, vector<1x16xf32>,
      %swap3A_155 = vector.shape_cast %swap3A_154 : vector<1x16xf32> to vector<16xf32>
      %swap3A_156 = vector.shape_cast %broadcast_in_dim3A_3 : vector<16xf32> to vector<1x16xf32>
      tpu.vector_store %arg11[%swap3A_152, %swap3A_153], %swap3A_156 {strides = array<i32>} : memref<128x128xf32, #tpu.memory_space<vmem>>, vector<1x16xf32>,
      %swap3A_157 = arith.index_cast %scan3A_137 : i32 to index
      %swap3A_158 = arith.constant 64 : index
      %swap3A_159 = tpu.vector_load %arg11[%swap3A_157, %swap3A_158] {strides = array<i32>} : memref<128x128xf32, #tpu.memory_space<vmem>>, vector<1x16xf32>,
      %swap3A_160 = vector.shape_cast %swap3A_159 : vector<1x16xf32> to vector<16xf32>
      %swap3A_161 = vector.shape_cast %broadcast_in_dim3A_3 : vector<16xf32> to vector<1x16xf32>
      tpu.vector_store %arg11[%swap3A_157, %swap3A_158], %swap3A_161 {strides = array<i32>} : memref<128x128xf32, #tpu.memory_space<vmem>>, vector<1x16xf32>,
      %swap3A_162 = arith.index_cast %scan3A_137 : i32 to index
      %swap3A_163 = arith.constant 80 : index
      %swap3A_164 = tpu.vector_load %arg11[%swap3A_162, %swap3A_163] {strides = array<i32>} : memref<128x128xf32, #tpu.memory_space<vmem>>, vector<1x16xf32>,
      %swap3A_165 = vector.shape_cast %swap3A_164 : vector<1x16xf32> to vector<16xf32>
      %swap3A_166 = vector.shape_cast %broadcast_in_dim3A_3 : vector<16xf32> to vector<1x16xf32>
      tpu.vector_store %arg11[%swap3A_162, %swap3A_163], %swap3A_166 {strides = array<i32>} : memref<128x128xf32, #tpu.memory_space<vmem>>, vector<1x16xf32>,
      %swap3A_167 = arith.index_cast %scan3A_137 : i32 to index
      %swap3A_168 = arith.constant 96 : index
      %swap3A_169 = tpu.vector_load %arg11[%swap3A_167, %swap3A_168] {strides = array<i32>} : memref<128x128xf32, #tpu.memory_space<vmem>>, vector<1x16xf32>,
      %swap3A_170 = vector.shape_cast %swap3A_169 : vector<1x16xf32> to vector<16xf32>
      %swap3A_171 = vector.shape_cast %broadcast_in_dim3A_3 : vector<16xf32> to vector<1x16xf32>
      tpu.vector_store %arg11[%swap3A_167, %swap3A_168], %swap3A_171 {strides = array<i32>} : memref<128x128xf32, #tpu.memory_space<vmem>>, vector<1x16xf32>,
      %swap3A_172 = arith.index_cast %scan3A_137 : i32 to index
      %swap3A_173 = arith.constant 112 : index
      %swap3A_174 = tpu.vector_load %arg11[%swap3A_172, %swap3A_173] {strides = array<i32>} : memref<128x128xf32, #tpu.memory_space<vmem>>, vector<1x16xf32>,
      %swap3A_175 = vector.shape_cast %swap3A_174 : vector<1x16xf32> to vector<16xf32>
      %swap3A_176 = vector.shape_cast %broadcast_in_dim3A_3 : vector<16xf32> to vector<1x16xf32>
      tpu.vector_store %arg11[%swap3A_172, %swap3A_173], %swap3A_176 {strides = array<i32>} : memref<128x128xf32, #tpu.memory_space<vmem>>, vector<1x16xf32>,
    }
    %scan3A_8 = arith.constant 128 : i32
    %mul3A_9 = arith.constant 632 : i32
    %mul3A_10 = arith.muli %arg1, %mul3A_9 : i32
    %add3A_11 = arith.constant 0 : i32
    %add3A_12 = arith.addi %mul3A_10, %add3A_11 : i32
    %dma_start3A = arith.constant 0 : i32
    %dma_start3A_13 = tpu.memref_slice %arg12[%add3A_12, %dma_start3A] : memref<10112x128xf32, #tpu.memory_space<vmem_shared>> -> memref<128x128xf32, #tpu.memory_space<vmem_shared>>
    %dma_start3A_14 = arith.constant 0 : i32
    %dma_start3A_15 = tpu.memref_slice %arg12[%add3A_12, %dma_start3A_14] : memref<10112x128xf32, #tpu.memory_space<vmem_shared>> -> memref<128x128xf32, #tpu.memory_space<vmem_shared>>
    tpu.enqueue_dma source(%arg11 : memref<128x128xf32, #tpu.memory_space<vmem>>) target(%dma_start3A_15 : memref<128x128xf32, #tpu.memory_space<vmem_shared>>) target_semaphore(%arg17 : memref<!tpu.dma_semaphore, #tpu.memory_space<semaphore_mem>>)
    %mul3A_16 = arith.constant 632 : i32
    %mul3A_17 = arith.muli %arg1, %mul3A_16 : i32
    %add3A_18 = arith.constant 128 : i32
    %add3A_19 = arith.addi %mul3A_17, %add3A_18 : i32
    %dma_start3A_20 = arith.constant 0 : i32
    %dma_start3A_21 = tpu.memref_slice %arg12[%add3A_19, %dma_start3A_20] : memref<10112x128xf32, #tpu.memory_space<vmem_shared>> -> memref<128x128xf32, #tpu.memory_space<vmem_shared>>
    %dma_start3A_22 = arith.constant 0 : i32
    %dma_start3A_23 = tpu.memref_slice %arg12[%add3A_19, %dma_start3A_22] : memref<10112x128xf32, #tpu.memory_space<vmem_shared>> -> memref<128x128xf32, #tpu.memory_space<vmem_shared>>
    tpu.enqueue_dma source(%arg11 : memref<128x128xf32, #tpu.memory_space<vmem>>) target(%dma_start3A_23 : memref<128x128xf32, #tpu.memory_space<vmem_shared>>) target_semaphore(%arg17 : memref<!tpu.dma_semaphore, #tpu.memory_space<semaphore_mem>>)
    %mul3A_24 = arith.constant 632 : i32
    %mul3A_25 = arith.muli %arg1, %mul3A_24 : i32
    %add3A_26 = arith.constant 256 : i32
    %add3A_27 = arith.addi %mul3A_25, %add3A_26 : i32
    %dma_start3A_28 = arith.constant 0 : i32
    %dma_start3A_29 = tpu.memref_slice %arg12[%add3A_27, %dma_start3A_28] : memref<10112x128xf32, #tpu.memory_space<vmem_shared>> -> memref<128x128xf32, #tpu.memory_space<vmem_shared>>
    %dma_start3A_30 = arith.constant 0 : i32
    %dma_start3A_31 = tpu.memref_slice %arg12[%add3A_27, %dma_start3A_30] : memref<10112x128xf32, #tpu.memory_space<vmem_shared>> -> memref<128x128xf32, #tpu.memory_space<vmem_shared>>
    tpu.enqueue_dma source(%arg11 : memref<128x128xf32, #tpu.memory_space<vmem>>) target(%dma_start3A_31 : memref<128x128xf32, #tpu.memory_space<vmem_shared>>) target_semaphore(%arg17 : memref<!tpu.dma_semaphore, #tpu.memory_space<semaphore_mem>>)
    %mul3A_32 = arith.constant 632 : i32
    %mul3A_33 = arith.muli %arg1, %mul3A_32 : i32
    %add3A_34 = arith.constant 384 : i32
    %add3A_35 = arith.addi %mul3A_33, %add3A_34 : i32
    %dma_start3A_36 = arith.constant 0 : i32
    %dma_start3A_37 = tpu.memref_slice %arg12[%add3A_35, %dma_start3A_36] : memref<10112x128xf32, #tpu.memory_space<vmem_shared>> -> memref<128x128xf32, #tpu.memory_space<vmem_shared>>
    %dma_start3A_38 = arith.constant 0 : i32
    %dma_start3A_39 = tpu.memref_slice %arg12[%add3A_35, %dma_start3A_38] : memref<10112x128xf32, #tpu.memory_space<vmem_shared>> -> memref<128x128xf32, #tpu.memory_space<vmem_shared>>
    tpu.enqueue_dma source(%arg11 : memref<128x128xf32, #tpu.memory_space<vmem>>) target(%dma_start3A_39 : memref<128x128xf32, #tpu.memory_space<vmem_shared>>) target_semaphore(%arg17 : memref<!tpu.dma_semaphore, #tpu.memory_space<semaphore_mem>>)
    %mul3A_40 = arith.constant 632 : i32
    %mul3A_41 = arith.muli %arg1, %mul3A_40 : i32
    %add3A_42 = arith.constant 512 : i32
    %add3A_43 = arith.addi %mul3A_41, %add3A_42 : i32
    %dma_start3A_44 = arith.constant 0 : i32
    %dma_start3A_45 = arith.constant 0 : i32
    %dma_start3A_46 = tpu.memref_slice %arg11[%dma_start3A_44, %dma_start3A_45] : memref<128x128xf32, #tpu.memory_space<vmem>> -> memref<120x128xf32, #tpu.memory_space<vmem>>
    %dma_start3A_47 = arith.constant 0 : i32
    %dma_start3A_48 = tpu.memref_slice %arg12[%add3A_43, %dma_start3A_47] : memref<10112x128xf32, #tpu.memory_space<vmem_shared>> -> memref<120x128xf32, #tpu.memory_space<vmem_shared>>
    %dma_start3A_49 = arith.constant 0 : i32
    %dma_start3A_50 = tpu.memref_slice %arg12[%add3A_43, %dma_start3A_49] : memref<10112x128xf32, #tpu.memory_space<vmem_shared>> -> memref<120x128xf32, #tpu.memory_space<vmem_shared>>
    %dma_start3A_51 = arith.constant 0 : i32
    %dma_start3A_52 = arith.constant 0 : i32
    %dma_start3A_53 = tpu.memref_slice %arg11[%dma_start3A_51, %dma_start3A_52] : memref<128x128xf32, #tpu.memory_space<vmem>> -> memref<120x128xf32, #tpu.memory_space<vmem>>
    tpu.enqueue_dma source(%dma_start3A_53 : memref<120x128xf32, #tpu.memory_space<vmem>>) target(%dma_start3A_50 : memref<120x128xf32, #tpu.memory_space<vmem_shared>>) target_semaphore(%arg17 : memref<!tpu.dma_semaphore, #tpu.memory_space<semaphore_mem>>)
    "tpu.region"() ({
      %run_scoped3A = tpu.sem_alloc : memref<!tpu.dma_semaphore, #tpu.memory_space<semaphore_mem>>
      %dma_start3A_137 = tpu.memref_slice %arg2[%mul3A_2] : memref<320000xi32, #tpu.memory_space<hbm>> -> memref<10000xi32, #tpu.memory_space<hbm>>
      %dma_start3A_138 = tpu.memref_slice %arg2[%mul3A_2] : memref<320000xi32, #tpu.memory_space<hbm>> -> memref<10000xi32, #tpu.memory_space<hbm>>
      tpu.enqueue_dma source(%dma_start3A_138 : memref<10000xi32, #tpu.memory_space<hbm>>) target(%arg6 : memref<10000xi32, #tpu.memory_space<vmem>>) target_semaphore(%run_scoped3A : memref<!tpu.dma_semaphore, #tpu.memory_space<semaphore_mem>>)
      %dma_wait3A_139 = tpu.memref_slice %arg2[%mul3A_2] : memref<320000xi32, #tpu.memory_space<hbm>> -> memref<10000xi32, #tpu.memory_space<hbm>>
      %dma_wait3A_140 = tpu.memref_slice %arg2[%mul3A_2] : memref<320000xi32, #tpu.memory_space<hbm>> -> memref<10000xi32, #tpu.memory_space<hbm>>
      tpu.wait_dma2 semaphore(%run_scoped3A : memref<!tpu.dma_semaphore, #tpu.memory_space<semaphore_mem>>) src(%dma_wait3A_140 : memref<10000xi32, #tpu.memory_space<hbm>>) dst(%arg6 : memref<10000xi32, #tpu.memory_space<vmem>>)
      tpu.yield
    }) : () -> ()
    %add3A_54 = arith.constant 0 : i32
    %add3A_55 = arith.addi %mul3A_2, %add3A_54 : i32
    %dma_start3A_56 = tpu.memref_slice %arg3[%add3A_55] : memref<320000xi32, #tpu.memory_space<hbm>> -> memref<128xi32, #tpu.memory_space<hbm>>
    %dma_start3A_57 = tpu.memref_slice %arg3[%add3A_55] : memref<320000xi32, #tpu.memory_space<hbm>> -> memref<128xi32, #tpu.memory_space<hbm>>
    tpu.enqueue_dma source(%dma_start3A_57 : memref<128xi32, #tpu.memory_space<hbm>>) target(%arg7 : memref<128xi32, #tpu.memory_space<vmem>>) target_semaphore(%arg15 : memref<!tpu.dma_semaphore, #tpu.memory_space<semaphore_mem>>)
    %add3A_58 = arith.constant 128 : i32
    %add3A_59 = arith.addi %mul3A_2, %add3A_58 : i32
    %dma_start3A_60 = tpu.memref_slice %arg3[%add3A_59] : memref<320000xi32, #tpu.memory_space<hbm>> -> memref<128xi32, #tpu.memory_space<hbm>>
    %dma_start3A_61 = tpu.memref_slice %arg3[%add3A_59] : memref<320000xi32, #tpu.memory_space<hbm>> -> memref<128xi32, #tpu.memory_space<hbm>>
    tpu.enqueue_dma source(%dma_start3A_61 : memref<128xi32, #tpu.memory_space<hbm>>) target(%arg8 : memref<128xi32, #tpu.memory_space<vmem>>) target_semaphore(%arg16 : memref<!tpu.dma_semaphore, #tpu.memory_space<semaphore_mem>>)
    %dma_start3A_62 = arith.constant 0 : i32
    %dma_start3A_63 = tpu.memref_slice %arg6[%dma_start3A_62] : memref<10000xi32, #tpu.memory_space<vmem>> -> memref<128xi32, #tpu.memory_space<vmem>>
    %dma_start3A_64 = arith.constant 0 : i32
    %dma_start3A_65 = arith.constant 0 : i32
    %dma_start3A_66 = tpu.memref_slice %arg4[%dma_start3A_64, %dma_start3A_65] : memref<10000x128xf32, #tpu.memory_space<hbm>> -> memref<10000x128xf32, #tpu.memory_space<hbm>>
    tpu.enqueue_indirect_dma source(%dma_start3A_66 : memref<10000x128xf32, #tpu.memory_space<hbm>>) target(%arg10 : memref<128x128xf32, #tpu.memory_space<vmem>>) offsets(%dma_start3A_63 : memref<128xi32, #tpu.memory_space<vmem>>) semaphore(%arg13 : memref<!tpu.dma_semaphore, #tpu.memory_space<semaphore_mem>>)
    %add3A_67 = arith.constant 9984 : i32
    %add3A_68 = arith.addi %mul3A_2, %add3A_67 : i32
    %dma_start3A_69 = tpu.memref_slice %arg3[%add3A_68] : memref<320000xi32, #tpu.memory_space<hbm>> -> memref<16xi32, #tpu.memory_space<hbm>>
    %dma_start3A_70 = tpu.memref_slice %arg3[%add3A_68] : memref<320000xi32, #tpu.memory_space<hbm>> -> memref<16xi32, #tpu.memory_space<hbm>>
    tpu.enqueue_dma source(%dma_start3A_70 : memref<16xi32, #tpu.memory_space<hbm>>) target(%arg9 : memref<16xi32, #tpu.memory_space<vmem>>) target_semaphore(%arg18 : memref<!tpu.dma_semaphore, #tpu.memory_space<semaphore_mem>>)
    %mul3A_71 = arith.constant 632 : i32
    %mul3A_72 = arith.muli %arg1, %mul3A_71 : i32
    %dma_wait3A = arith.constant 0 : i32
    %dma_wait3A_73 = tpu.memref_slice %arg12[%mul3A_72, %dma_wait3A] : memref<10112x128xf32, #tpu.memory_space<vmem_shared>> -> memref<128x128xf32, #tpu.memory_space<vmem_shared>>
    %dma_wait3A_74 = arith.constant 0 : i32
    %dma_wait3A_75 = tpu.memref_slice %arg12[%mul3A_72, %dma_wait3A_74] : memref<10112x128xf32, #tpu.memory_space<vmem_shared>> -> memref<128x128xf32, #tpu.memory_space<vmem_shared>>
    tpu.wait_dma2 semaphore(%arg17 : memref<!tpu.dma_semaphore, #tpu.memory_space<semaphore_mem>>) src(%arg11 : memref<128x128xf32, #tpu.memory_space<vmem>>) dst(%dma_wait3A_75 : memref<128x128xf32, #tpu.memory_space<vmem_shared>>)
    %mul3A_76 = arith.constant 632 : i32
    %mul3A_77 = arith.muli %arg1, %mul3A_76 : i32
    %dma_wait3A_78 = arith.constant 0 : i32
    %dma_wait3A_79 = tpu.memref_slice %arg12[%mul3A_77, %dma_wait3A_78] : memref<10112x128xf32, #tpu.memory_space<vmem_shared>> -> memref<128x128xf32, #tpu.memory_space<vmem_shared>>
    %dma_wait3A_80 = arith.constant 0 : i32
    %dma_wait3A_81 = tpu.memref_slice %arg12[%mul3A_77, %dma_wait3A_80] : memref<10112x128xf32, #tpu.memory_space<vmem_shared>> -> memref<128x128xf32, #tpu.memory_space<vmem_shared>>
    tpu.wait_dma2 semaphore(%arg17 : memref<!tpu.dma_semaphore, #tpu.memory_space<semaphore_mem>>) src(%arg11 : memref<128x128xf32, #tpu.memory_space<vmem>>) dst(%dma_wait3A_81 : memref<128x128xf32, #tpu.memory_space<vmem_shared>>)
    %mul3A_82 = arith.constant 632 : i32
    %mul3A_83 = arith.muli %arg1, %mul3A_82 : i32
    %dma_wait3A_84 = arith.constant 0 : i32
    %dma_wait3A_85 = tpu.memref_slice %arg12[%mul3A_83, %dma_wait3A_84] : memref<10112x128xf32, #tpu.memory_space<vmem_shared>> -> memref<128x128xf32, #tpu.memory_space<vmem_shared>>
    %dma_wait3A_86 = arith.constant 0 : i32
    %dma_wait3A_87 = tpu.memref_slice %arg12[%mul3A_83, %dma_wait3A_86] : memref<10112x128xf32, #tpu.memory_space<vmem_shared>> -> memref<128x128xf32, #tpu.memory_space<vmem_shared>>
    tpu.wait_dma2 semaphore(%arg17 : memref<!tpu.dma_semaphore, #tpu.memory_space<semaphore_mem>>) src(%arg11 : memref<128x128xf32, #tpu.memory_space<vmem>>) dst(%dma_wait3A_87 : memref<128x128xf32, #tpu.memory_space<vmem_shared>>)
    %mul3A_88 = arith.constant 632 : i32
    %mul3A_89 = arith.muli %arg1, %mul3A_88 : i32
    %dma_wait3A_90 = arith.constant 0 : i32
    %dma_wait3A_91 = tpu.memref_slice %arg12[%mul3A_89, %dma_wait3A_90] : memref<10112x128xf32, #tpu.memory_space<vmem_shared>> -> memref<128x128xf32, #tpu.memory_space<vmem_shared>>
    %dma_wait3A_92 = arith.constant 0 : i32
    %dma_wait3A_93 = tpu.memref_slice %arg12[%mul3A_89, %dma_wait3A_92] : memref<10112x128xf32, #tpu.memory_space<vmem_shared>> -> memref<128x128xf32, #tpu.memory_space<vmem_shared>>
    tpu.wait_dma2 semaphore(%arg17 : memref<!tpu.dma_semaphore, #tpu.memory_space<semaphore_mem>>) src(%arg11 : memref<128x128xf32, #tpu.memory_space<vmem>>) dst(%dma_wait3A_93 : memref<128x128xf32, #tpu.memory_space<vmem_shared>>)
    %mul3A_94 = arith.constant 632 : i32
    %mul3A_95 = arith.muli %arg1, %mul3A_94 : i32
    %dma_wait3A_96 = arith.constant 0 : i32
    %dma_wait3A_97 = arith.constant 0 : i32
    %dma_wait3A_98 = tpu.memref_slice %arg11[%dma_wait3A_96, %dma_wait3A_97] : memref<128x128xf32, #tpu.memory_space<vmem>> -> memref<120x128xf32, #tpu.memory_space<vmem>>
    %dma_wait3A_99 = arith.constant 0 : i32
    %dma_wait3A_100 = tpu.memref_slice %arg12[%mul3A_95, %dma_wait3A_99] : memref<10112x128xf32, #tpu.memory_space<vmem_shared>> -> memref<120x128xf32, #tpu.memory_space<vmem_shared>>
    %dma_wait3A_101 = arith.constant 0 : i32
    %dma_wait3A_102 = tpu.memref_slice %arg12[%mul3A_95, %dma_wait3A_101] : memref<10112x128xf32, #tpu.memory_space<vmem_shared>> -> memref<120x128xf32, #tpu.memory_space<vmem_shared>>
    %dma_wait3A_103 = arith.constant 0 : i32
    %dma_wait3A_104 = arith.constant 0 : i32
    %dma_wait3A_105 = tpu.memref_slice %arg11[%dma_wait3A_103, %dma_wait3A_104] : memref<128x128xf32, #tpu.memory_space<vmem>> -> memref<120x128xf32, #tpu.memory_space<vmem>>
    tpu.wait_dma2 semaphore(%arg17 : memref<!tpu.dma_semaphore, #tpu.memory_space<semaphore_mem>>) src(%dma_wait3A_105 : memref<120x128xf32, #tpu.memory_space<vmem>>) dst(%dma_wait3A_102 : memref<120x128xf32, #tpu.memory_space<vmem_shared>>)
    %barrier3A = arith.constant 0 : index
    tpu.barrier barrier_id(%barrier3A)
    %scan3A_106 = arith.constant 0 : i32
    %scan3A_107 = arith.constant 0 : i32
    %scan3A_108 = arith.constant 39 : i32
    %scan3A_109 = arith.addi %scan3A_107, %scan3A_108 : i32
    %scan3A_110 = arith.constant 1 : i32
    scf.for %scan3A_137 = %scan3A_107 to %scan3A_109 step %scan3A_110  : i32 {
      %mul3A_138 = arith.constant 2 : i32
      %mul3A_139 = arith.muli %mul3A_138, %scan3A_137 : i32
      %mul3A_140 = arith.constant 2 : i32
      %mul3A_141 = arith.muli %mul3A_140, %scan3A_137 : i32
      %add3A_142 = arith.constant 1 : i32
      %add3A_143 = arith.addi %mul3A_141, %add3A_142 : i32
      %mul3A_144 = arith.constant 128 : i32
      %mul3A_145 = arith.muli %add3A_143, %mul3A_144 : i32
      %dma_start3A_146 = tpu.memref_slice %arg6[%mul3A_145] : memref<10000xi32, #tpu.memory_space<vmem>> -> memref<128xi32, #tpu.memory_space<vmem>>
      %dma_start3A_147 = arith.constant 0 : i32
      %dma_start3A_148 = arith.constant 0 : i32
      %dma_start3A_149 = tpu.memref_slice %arg4[%dma_start3A_147, %dma_start3A_148] : memref<10000x128xf32, #tpu.memory_space<hbm>> -> memref<10000x128xf32, #tpu.memory_space<hbm>>
      tpu.enqueue_indirect_dma source(%dma_start3A_149 : memref<10000x128xf32, #tpu.memory_space<hbm>>) target(%arg11 : memref<128x128xf32, #tpu.memory_space<vmem>>) offsets(%dma_start3A_146 : memref<128xi32, #tpu.memory_space<vmem>>) semaphore(%arg14 : memref<!tpu.dma_semaphore, #tpu.memory_space<semaphore_mem>>)
      %mul3A_150 = arith.constant 128 : i32
      %mul3A_151 = arith.muli %mul3A_139, %mul3A_150 : i32
      %dma_wait3A_152 = tpu.memref_slice %arg6[%mul3A_151] : memref<10000xi32, #tpu.memory_space<vmem>> -> memref<128xi32, #tpu.memory_space<vmem>>
      %dma_wait3A_153 = arith.constant 0 : i32
      %dma_wait3A_154 = arith.constant 0 : i32
      %dma_wait3A_155 = tpu.memref_slice %arg4[%dma_wait3A_153, %dma_wait3A_154] : memref<10000x128xf32, #tpu.memory_space<hbm>> -> memref<10000x128xf32, #tpu.memory_space<hbm>>
      tpu.wait_indirect_dma semaphore(%arg13 : memref<!tpu.dma_semaphore, #tpu.memory_space<semaphore_mem>>) src(%dma_wait3A_155 : memref<10000x128xf32, #tpu.memory_space<hbm>>) dst(%arg10 : memref<128x128xf32, #tpu.memory_space<vmem>>)
      %mul3A_156 = arith.constant 128 : i32
      %mul3A_157 = arith.muli %mul3A_139, %mul3A_156 : i32
      %add3A_158 = arith.addi %mul3A_2, %mul3A_157 : i32
      %dma_wait3A_159 = tpu.memref_slice %arg3[%add3A_158] : memref<320000xi32, #tpu.memory_space<hbm>> -> memref<128xi32, #tpu.memory_space<hbm>>
      %dma_wait3A_160 = tpu.memref_slice %arg3[%add3A_158] : memref<320000xi32, #tpu.memory_space<hbm>> -> memref<128xi32, #tpu.memory_space<hbm>>
      tpu.wait_dma2 semaphore(%arg15 : memref<!tpu.dma_semaphore, #tpu.memory_space<semaphore_mem>>) src(%dma_wait3A_160 : memref<128xi32, #tpu.memory_space<hbm>>) dst(%arg7 : memref<128xi32, #tpu.memory_space<vmem>>)
      "tpu.region"() ({
        %run_scoped3A = tpu.sem_alloc : memref<!tpu.dma_semaphore, #tpu.memory_space<semaphore_mem>>
        %dma_start3A_183 = arith.constant 0 : i32
        %dma_start3A_184 = arith.constant 0 : i32
        %dma_start3A_185 = tpu.memref_slice %arg12[%dma_start3A_183, %dma_start3A_184] : memref<10112x128xf32, #tpu.memory_space<vmem_shared>> -> memref<10112x128xf32, #tpu.memory_space<vmem_shared>>
        tpu.enqueue_indirect_dma source(%arg10 : memref<128x128xf32, #tpu.memory_space<vmem>>) target(%dma_start3A_185 : memref<10112x128xf32, #tpu.memory_space<vmem_shared>>) offsets(%arg7 : memref<128xi32, #tpu.memory_space<vmem>>) semaphore(%run_scoped3A : memref<!tpu.dma_semaphore, #tpu.memory_space<semaphore_mem>>) {add = true}
        %dma_wait3A_186 = arith.constant 0 : i32
        %dma_wait3A_187 = arith.constant 0 : i32
        %dma_wait3A_188 = tpu.memref_slice %arg12[%dma_wait3A_186, %dma_wait3A_187] : memref<10112x128xf32, #tpu.memory_space<vmem_shared>> -> memref<10112x128xf32, #tpu.memory_space<vmem_shared>>
        tpu.wait_indirect_dma semaphore(%run_scoped3A : memref<!tpu.dma_semaphore, #tpu.memory_space<semaphore_mem>>) src(%arg10 : memref<128x128xf32, #tpu.memory_space<vmem>>) dst(%dma_wait3A_188 : memref<10112x128xf32, #tpu.memory_space<vmem_shared>>)
        tpu.yield
      }) : () -> ()
      %add3A_161 = arith.constant 1 : i32
      %add3A_162 = arith.addi %add3A_143, %add3A_161 : i32
      %lt3A = arith.constant 78 : i32
      %lt3A_163 = arith.cmpi slt, %add3A_162, %lt3A : i32
      %convert_element_type3A = arith.extui %lt3A_163 : i1 to i32
      %cond3A = arith.constant 0 : i32
      %cond3A_164 = arith.cmpi ne, %convert_element_type3A, %cond3A : i32
      scf.if %cond3A_164 {
        %add3A_183 = arith.constant 2 : i32
        %add3A_184 = arith.addi %mul3A_139, %add3A_183 : i32
        %mul3A_185 = arith.constant 128 : i32
        %mul3A_186 = arith.muli %add3A_184, %mul3A_185 : i32
        %add3A_187 = arith.addi %mul3A_2, %mul3A_186 : i32
        %dma_start3A_188 = tpu.memref_slice %arg3[%add3A_187] : memref<320000xi32, #tpu.memory_space<hbm>> -> memref<128xi32, #tpu.memory_space<hbm>>
        %dma_start3A_189 = tpu.memref_slice %arg3[%add3A_187] : memref<320000xi32, #tpu.memory_space<hbm>> -> memref<128xi32, #tpu.memory_space<hbm>>
        tpu.enqueue_dma source(%dma_start3A_189 : memref<128xi32, #tpu.memory_space<hbm>>) target(%arg7 : memref<128xi32, #tpu.memory_space<vmem>>) target_semaphore(%arg15 : memref<!tpu.dma_semaphore, #tpu.memory_space<semaphore_mem>>)
        %add3A_190 = arith.constant 1 : i32
        %add3A_191 = arith.addi %add3A_143, %add3A_190 : i32
        %mul3A_192 = arith.constant 128 : i32
        %mul3A_193 = arith.muli %add3A_191, %mul3A_192 : i32
        %dma_start3A_194 = tpu.memref_slice %arg6[%mul3A_193] : memref<10000xi32, #tpu.memory_space<vmem>> -> memref<128xi32, #tpu.memory_space<vmem>>
        %dma_start3A_195 = arith.constant 0 : i32
        %dma_start3A_196 = arith.constant 0 : i32
        %dma_start3A_197 = tpu.memref_slice %arg4[%dma_start3A_195, %dma_start3A_196] : memref<10000x128xf32, #tpu.memory_space<hbm>> -> memref<10000x128xf32, #tpu.memory_space<hbm>>
        tpu.enqueue_indirect_dma source(%dma_start3A_197 : memref<10000x128xf32, #tpu.memory_space<hbm>>) target(%arg10 : memref<128x128xf32, #tpu.memory_space<vmem>>) offsets(%dma_start3A_194 : memref<128xi32, #tpu.memory_space<vmem>>) semaphore(%arg13 : memref<!tpu.dma_semaphore, #tpu.memory_space<semaphore_mem>>)
      } else {
      }
      %mul3A_165 = arith.constant 128 : i32
      %mul3A_166 = arith.muli %add3A_143, %mul3A_165 : i32
      %dma_wait3A_167 = tpu.memref_slice %arg6[%mul3A_166] : memref<10000xi32, #tpu.memory_space<vmem>> -> memref<128xi32, #tpu.memory_space<vmem>>
      %dma_wait3A_168 = arith.constant 0 : i32
      %dma_wait3A_169 = arith.constant 0 : i32
      %dma_wait3A_170 = tpu.memref_slice %arg4[%dma_wait3A_168, %dma_wait3A_169] : memref<10000x128xf32, #tpu.memory_space<hbm>> -> memref<10000x128xf32, #tpu.memory_space<hbm>>
      tpu.wait_indirect_dma semaphore(%arg14 : memref<!tpu.dma_semaphore, #tpu.memory_space<semaphore_mem>>) src(%dma_wait3A_170 : memref<10000x128xf32, #tpu.memory_space<hbm>>) dst(%arg11 : memref<128x128xf32, #tpu.memory_space<vmem>>)
      %mul3A_171 = arith.constant 128 : i32
      %mul3A_172 = arith.muli %add3A_143, %mul3A_171 : i32
      %add3A_173 = arith.addi %mul3A_2, %mul3A_172 : i32
      %dma_wait3A_174 = tpu.memref_slice %arg3[%add3A_173] : memref<320000xi32, #tpu.memory_space<hbm>> -> memref<128xi32, #tpu.memory_space<hbm>>
      %dma_wait3A_175 = tpu.memref_slice %arg3[%add3A_173] : memref<320000xi32, #tpu.memory_space<hbm>> -> memref<128xi32, #tpu.memory_space<hbm>>
      tpu.wait_dma2 semaphore(%arg16 : memref<!tpu.dma_semaphore, #tpu.memory_space<semaphore_mem>>) src(%dma_wait3A_175 : memref<128xi32, #tpu.memory_space<hbm>>) dst(%arg8 : memref<128xi32, #tpu.memory_space<vmem>>)
      "tpu.region"() ({
        %run_scoped3A = tpu.sem_alloc : memref<!tpu.dma_semaphore, #tpu.memory_space<semaphore_mem>>
        %dma_start3A_183 = arith.constant 0 : i32
        %dma_start3A_184 = arith.constant 0 : i32
        %dma_start3A_185 = tpu.memref_slice %arg12[%dma_start3A_183, %dma_start3A_184] : memref<10112x128xf32, #tpu.memory_space<vmem_shared>> -> memref<10112x128xf32, #tpu.memory_space<vmem_shared>>
        tpu.enqueue_indirect_dma source(%arg11 : memref<128x128xf32, #tpu.memory_space<vmem>>) target(%dma_start3A_185 : memref<10112x128xf32, #tpu.memory_space<vmem_shared>>) offsets(%arg8 : memref<128xi32, #tpu.memory_space<vmem>>) semaphore(%run_scoped3A : memref<!tpu.dma_semaphore, #tpu.memory_space<semaphore_mem>>) {add = true}
        %dma_wait3A_186 = arith.constant 0 : i32
        %dma_wait3A_187 = arith.constant 0 : i32
        %dma_wait3A_188 = tpu.memref_slice %arg12[%dma_wait3A_186, %dma_wait3A_187] : memref<10112x128xf32, #tpu.memory_space<vmem_shared>> -> memref<10112x128xf32, #tpu.memory_space<vmem_shared>>
        tpu.wait_indirect_dma semaphore(%run_scoped3A : memref<!tpu.dma_semaphore, #tpu.memory_space<semaphore_mem>>) src(%arg11 : memref<128x128xf32, #tpu.memory_space<vmem>>) dst(%dma_wait3A_188 : memref<10112x128xf32, #tpu.memory_space<vmem_shared>>)
        tpu.yield
      }) : () -> ()
      %add3A_176 = arith.constant 2 : i32
      %add3A_177 = arith.addi %add3A_143, %add3A_176 : i32
      %lt3A_178 = arith.constant 78 : i32
      %lt3A_179 = arith.cmpi slt, %add3A_177, %lt3A_178 : i32
      %convert_element_type3A_180 = arith.extui %lt3A_179 : i1 to i32
      %cond3A_181 = arith.constant 0 : i32
      %cond3A_182 = arith.cmpi ne, %convert_element_type3A_180, %cond3A_181 : i32
      scf.if %cond3A_182 {
        %add3A_183 = arith.constant 2 : i32
        %add3A_184 = arith.addi %add3A_143, %add3A_183 : i32
        %mul3A_185 = arith.constant 128 : i32
        %mul3A_186 = arith.muli %add3A_184, %mul3A_185 : i32
        %add3A_187 = arith.addi %mul3A_2, %mul3A_186 : i32
        %dma_start3A_188 = tpu.memref_slice %arg3[%add3A_187] : memref<320000xi32, #tpu.memory_space<hbm>> -> memref<128xi32, #tpu.memory_space<hbm>>
        %dma_start3A_189 = tpu.memref_slice %arg3[%add3A_187] : memref<320000xi32, #tpu.memory_space<hbm>> -> memref<128xi32, #tpu.memory_space<hbm>>
        tpu.enqueue_dma source(%dma_start3A_189 : memref<128xi32, #tpu.memory_space<hbm>>) target(%arg8 : memref<128xi32, #tpu.memory_space<vmem>>) target_semaphore(%arg16 : memref<!tpu.dma_semaphore, #tpu.memory_space<semaphore_mem>>)
      } else {
      }
    }
    %scan3A_111 = arith.constant 39 : i32
    %add3A_112 = arith.constant 9984 : i32
    %add3A_113 = arith.addi %mul3A_2, %add3A_112 : i32
    %dma_wait3A_114 = tpu.memref_slice %arg3[%add3A_113] : memref<320000xi32, #tpu.memory_space<hbm>> -> memref<16xi32, #tpu.memory_space<hbm>>
    %dma_wait3A_115 = tpu.memref_slice %arg3[%add3A_113] : memref<320000xi32, #tpu.memory_space<hbm>> -> memref<16xi32, #tpu.memory_space<hbm>>
    tpu.wait_dma2 semaphore(%arg18 : memref<!tpu.dma_semaphore, #tpu.memory_space<semaphore_mem>>) src(%dma_wait3A_115 : memref<16xi32, #tpu.memory_space<hbm>>) dst(%arg9 : memref<16xi32, #tpu.memory_space<vmem>>)
    %dma_start3A_116 = arith.constant 0 : i32
    %dma_start3A_117 = arith.constant 0 : i32
    %dma_start3A_118 = tpu.memref_slice %arg10[%dma_start3A_116, %dma_start3A_117] : memref<128x128xf32, #tpu.memory_space<vmem>> -> memref<16x128xf32, #tpu.memory_space<vmem>>
    %dma_start3A_119 = arith.constant 9984 : i32
    %dma_start3A_120 = tpu.memref_slice %arg6[%dma_start3A_119] : memref<10000xi32, #tpu.memory_space<vmem>> -> memref<16xi32, #tpu.memory_space<vmem>>
    %dma_start3A_121 = arith.constant 0 : i32
    %dma_start3A_122 = arith.constant 0 : i32
    %dma_start3A_123 = tpu.memref_slice %arg4[%dma_start3A_121, %dma_start3A_122] : memref<10000x128xf32, #tpu.memory_space<hbm>> -> memref<10000x128xf32, #tpu.memory_space<hbm>>
    tpu.enqueue_indirect_dma source(%dma_start3A_123 : memref<10000x128xf32, #tpu.memory_space<hbm>>) target(%dma_start3A_118 : memref<16x128xf32, #tpu.memory_space<vmem>>) offsets(%dma_start3A_120 : memref<16xi32, #tpu.memory_space<vmem>>) semaphore(%arg13 : memref<!tpu.dma_semaphore, #tpu.memory_space<semaphore_mem>>)
    %dma_wait3A_124 = arith.constant 0 : i32
    %dma_wait3A_125 = arith.constant 0 : i32
    %dma_wait3A_126 = tpu.memref_slice %arg10[%dma_wait3A_124, %dma_wait3A_125] : memref<128x128xf32, #tpu.memory_space<vmem>> -> memref<16x128xf32, #tpu.memory_space<vmem>>
    %dma_wait3A_127 = arith.constant 9984 : i32
    %dma_wait3A_128 = tpu.memref_slice %arg6[%dma_wait3A_127] : memref<10000xi32, #tpu.memory_space<vmem>> -> memref<16xi32, #tpu.memory_space<vmem>>
    %dma_wait3A_129 = arith.constant 0 : i32
    %dma_wait3A_130 = arith.constant 0 : i32
    %dma_wait3A_131 = tpu.memref_slice %arg4[%dma_wait3A_129, %dma_wait3A_130] : memref<10000x128xf32, #tpu.memory_space<hbm>> -> memref<10000x128xf32, #tpu.memory_space<hbm>>
    tpu.wait_indirect_dma semaphore(%arg13 : memref<!tpu.dma_semaphore, #tpu.memory_space<semaphore_mem>>) src(%dma_wait3A_131 : memref<10000x128xf32, #tpu.memory_space<hbm>>) dst(%dma_wait3A_126 : memref<16x128xf32, #tpu.memory_space<vmem>>)
    "tpu.region"() ({
      %run_scoped3A = tpu.sem_alloc : memref<!tpu.dma_semaphore, #tpu.memory_space<semaphore_mem>>
      %dma_start3A_137 = arith.constant 0 : i32
      %dma_start3A_138 = arith.constant 0 : i32
      %dma_start3A_139 = tpu.memref_slice %arg10[%dma_start3A_137, %dma_start3A_138] : memref<128x128xf32, #tpu.memory_space<vmem>> -> memref<16x128xf32, #tpu.memory_space<vmem>>
      %dma_start3A_140 = arith.constant 0 : i32
      %dma_start3A_141 = arith.constant 0 : i32
      %dma_start3A_142 = tpu.memref_slice %arg12[%dma_start3A_140, %dma_start3A_141] : memref<10112x128xf32, #tpu.memory_space<vmem_shared>> -> memref<10112x128xf32, #tpu.memory_space<vmem_shared>>
      tpu.enqueue_indirect_dma source(%dma_start3A_139 : memref<16x128xf32, #tpu.memory_space<vmem>>) target(%dma_start3A_142 : memref<10112x128xf32, #tpu.memory_space<vmem_shared>>) offsets(%arg9 : memref<16xi32, #tpu.memory_space<vmem>>) semaphore(%run_scoped3A : memref<!tpu.dma_semaphore, #tpu.memory_space<semaphore_mem>>) {add = true}
      %dma_wait3A_143 = arith.constant 0 : i32
      %dma_wait3A_144 = arith.constant 0 : i32
      %dma_wait3A_145 = tpu.memref_slice %arg10[%dma_wait3A_143, %dma_wait3A_144] : memref<128x128xf32, #tpu.memory_space<vmem>> -> memref<16x128xf32, #tpu.memory_space<vmem>>
      %dma_wait3A_146 = arith.constant 0 : i32
      %dma_wait3A_147 = arith.constant 0 : i32
      %dma_wait3A_148 = tpu.memref_slice %arg12[%dma_wait3A_146, %dma_wait3A_147] : memref<10112x128xf32, #tpu.memory_space<vmem_shared>> -> memref<10112x128xf32, #tpu.memory_space<vmem_shared>>
      tpu.wait_indirect_dma semaphore(%run_scoped3A : memref<!tpu.dma_semaphore, #tpu.memory_space<semaphore_mem>>) src(%dma_wait3A_145 : memref<16x128xf32, #tpu.memory_space<vmem>>) dst(%dma_wait3A_148 : memref<10112x128xf32, #tpu.memory_space<vmem_shared>>)
      tpu.yield
    }) : () -> ()
    %barrier3A_132 = arith.constant 0 : index
    tpu.barrier barrier_id(%barrier3A_132)
    %mul3A_133 = arith.constant 632 : i32
    %mul3A_134 = arith.muli %arg1, %mul3A_133 : i32
    %mul3A_135 = arith.constant 632 : i32
    %mul3A_136 = arith.muli %arg1, %mul3A_135 : i32
    "tpu.region"() ({
      %run_scoped3A = tpu.sem_alloc : memref<!tpu.dma_semaphore, #tpu.memory_space<semaphore_mem>>
      %dma_start3A_137 = arith.constant 0 : i32
      %dma_start3A_138 = tpu.memref_slice %arg5[%arg0, %mul3A_136, %dma_start3A_137] : memref<2x10112x128xf32, #tpu.memory_space<hbm>> -> memref<1x632x128xf32, #tpu.memory_space<hbm>>
      %dma_start3A_139 = tpu.memref_squeeze %dma_start3A_138 : memref<1x632x128xf32, #tpu.memory_space<hbm>> -> memref<632x128xf32, #tpu.memory_space<hbm>>
      %dma_start3A_140 = arith.constant 0 : i32
      %dma_start3A_141 = tpu.memref_slice %arg12[%mul3A_134, %dma_start3A_140] : memref<10112x128xf32, #tpu.memory_space<vmem_shared>> -> memref<632x128xf32, #tpu.memory_space<vmem_shared>>
      tpu.enqueue_dma source(%dma_start3A_141 : memref<632x128xf32, #tpu.memory_space<vmem_shared>>) target(%dma_start3A_139 : memref<632x128xf32, #tpu.memory_space<hbm>>) target_semaphore(%run_scoped3A : memref<!tpu.dma_semaphore, #tpu.memory_space<semaphore_mem>>)
      %dma_wait3A_142 = arith.constant 0 : i32
      %dma_wait3A_143 = tpu.memref_slice %arg5[%arg0, %mul3A_136, %dma_wait3A_142] : memref<2x10112x128xf32, #tpu.memory_space<hbm>> -> memref<1x632x128xf32, #tpu.memory_space<hbm>>
      %dma_wait3A_144 = tpu.memref_squeeze %dma_wait3A_143 : memref<1x632x128xf32, #tpu.memory_space<hbm>> -> memref<632x128xf32, #tpu.memory_space<hbm>>
      %dma_wait3A_145 = arith.constant 0 : i32
      %dma_wait3A_146 = tpu.memref_slice %arg12[%mul3A_134, %dma_wait3A_145] : memref<10112x128xf32, #tpu.memory_space<vmem_shared>> -> memref<632x128xf32, #tpu.memory_space<vmem_shared>>
      tpu.wait_dma2 semaphore(%run_scoped3A : memref<!tpu.dma_semaphore, #tpu.memory_space<semaphore_mem>>) src(%dma_wait3A_146 : memref<632x128xf32, #tpu.memory_space<vmem_shared>>) dst(%dma_wait3A_144 : memref<632x128xf32, #tpu.memory_space<hbm>>)
      tpu.yield
    }) : () -> ()
    return
  }
}

module attributes {stable_mosaic.version = 14 : i64} {
  func.func @_mlp_body(%arg0: i32, %arg1: memref<1xf32, #tpu.memory_space<smem>>, %arg2: memref<2000x128xf32, #tpu.memory_space<vmem>>, %arg3: memref<2x2000x128xf32, #tpu.memory_space<vmem>>, %arg4: memref<128x128xf32, #tpu.memory_space<vmem>>, %arg5: memref<1x128xf32, #tpu.memory_space<vmem>>, %arg6: memref<128x128xf32, #tpu.memory_space<vmem>>, %arg7: memref<1x128xf32, #tpu.memory_space<vmem>>, %arg8: memref<2000x128xf32, #tpu.memory_space<vmem>>) attributes {dimension_semantics = [#tpu.dimension_semantics<arbitrary>], iteration_bounds = array<i64: 5>, scalar_prefetch = 0 : i64, scratch_operands = 0 : i64, tpu.core_type = #tpu.core_type<tc>, window_params = [{transform_indices = @transform_0, window_bounds = array<i64: 1>}, {transform_indices = @transform_1, window_bounds = array<i64: 2000, 128>}, {transform_indices = @transform_2, window_bounds = array<i64: 2, 2000, 128>}, {pipeline_mode = #tpu.pipeline_mode<synchronous>, transform_indices = @transform_3, window_bounds = array<i64: 128, 128>}, {pipeline_mode = #tpu.pipeline_mode<synchronous>, transform_indices = @transform_4, window_bounds = array<i64: 1, 128>}, {pipeline_mode = #tpu.pipeline_mode<synchronous>, transform_indices = @transform_5, window_bounds = array<i64: 128, 128>}, {pipeline_mode = #tpu.pipeline_mode<synchronous>, transform_indices = @transform_6, window_bounds = array<i64: 1, 128>}, {transform_indices = @transform_7, window_bounds = array<i64: 2000, 128>}]} {
    %get3A = arith.constant 0 : index
    %get3A_0 = memref.load %arg1[%get3A] : memref<1xf32, #tpu.memory_space<smem>>
    %get3A_1 = arith.constant 0 : index
    %get3A_2 = arith.constant 0 : index
    %get3A_3 = vector.load %arg2[%get3A_1, %get3A_2] : memref<2000x128xf32, #tpu.memory_space<vmem>>, vector<2000x128xf32>
    %mul3A = vector.broadcast %get3A_0 : f32 to vector<2000x128xf32>
    %mul3A_4 = arith.mulf %get3A_3, %mul3A : vector<2000x128xf32>
    %get3A_5 = arith.constant 0 : index
    %get3A_6 = arith.constant 0 : index
    %get3A_7 = arith.constant 0 : index
    %get3A_8 = vector.load %arg3[%get3A_5, %get3A_6, %get3A_7] : memref<2x2000x128xf32, #tpu.memory_space<vmem>>, vector<1x2000x128xf32>
    %get3A_9 = vector.shape_cast %get3A_8 : vector<1x2000x128xf32> to vector<2000x128xf32>
    %add3A = arith.addf %mul3A_4, %get3A_9 : vector<2000x128xf32>
    %get3A_10 = arith.constant 1 : index
    %get3A_11 = arith.constant 0 : index
    %get3A_12 = arith.constant 0 : index
    %get3A_13 = vector.load %arg3[%get3A_10, %get3A_11, %get3A_12] : memref<2x2000x128xf32, #tpu.memory_space<vmem>>, vector<1x2000x128xf32>
    %get3A_14 = vector.shape_cast %get3A_13 : vector<1x2000x128xf32> to vector<2000x128xf32>
    %add3A_15 = arith.addf %add3A, %get3A_14 : vector<2000x128xf32>
    %get3A_16 = arith.constant 0 : index
    %get3A_17 = arith.constant 0 : index
    %get3A_18 = vector.load %arg4[%get3A_16, %get3A_17] : memref<128x128xf32, #tpu.memory_space<vmem>>, vector<128x128xf32>
    %dot_general3A = arith.constant dense<0.000000e+00> : vector<2000x128xf32>
    %dot_general3A_19 = tpu.matmul %add3A_15, %get3A_18, %dot_general3A {dimension_numbers = #tpu.dot_dimension_numbers<[1], [0], [0], [1], [0, 0, 1, 1], [], []>, transpose_lhs_hint = false} : vector<2000x128xf32>, vector<128x128xf32>, vector<2000x128xf32> -> vector<2000x128xf32>
    %get3A_20 = arith.constant 0 : index
    %get3A_21 = arith.constant 0 : index
    %get3A_22 = vector.load %arg5[%get3A_20, %get3A_21] : memref<1x128xf32, #tpu.memory_space<vmem>>, vector<1x128xf32>
    %add3A_23 = vector.broadcast %get3A_22 : vector<1x128xf32> to vector<2000x128xf32>
    %add3A_24 = arith.addf %dot_general3A_19, %add3A_23 : vector<2000x128xf32>
    %max3A = arith.constant 0.000000e+00 : f32
    %max3A_25 = vector.broadcast %max3A : f32 to vector<2000x128xf32>
    %max3A_26 = arith.maximumf %add3A_24, %max3A_25 : vector<2000x128xf32>
    %get3A_27 = arith.constant 0 : index
    %get3A_28 = arith.constant 0 : index
    %get3A_29 = vector.load %arg6[%get3A_27, %get3A_28] : memref<128x128xf32, #tpu.memory_space<vmem>>, vector<128x128xf32>
    %dot_general3A_30 = arith.constant dense<0.000000e+00> : vector<2000x128xf32>
    %dot_general3A_31 = tpu.matmul %max3A_26, %get3A_29, %dot_general3A_30 {dimension_numbers = #tpu.dot_dimension_numbers<[1], [0], [0], [1], [0, 0, 1, 1], [], []>, transpose_lhs_hint = false} : vector<2000x128xf32>, vector<128x128xf32>, vector<2000x128xf32> -> vector<2000x128xf32>
    %get3A_32 = arith.constant 0 : index
    %get3A_33 = arith.constant 0 : index
    %get3A_34 = vector.load %arg7[%get3A_32, %get3A_33] : memref<1x128xf32, #tpu.memory_space<vmem>>, vector<1x128xf32>
    %add3A_35 = vector.broadcast %get3A_34 : vector<1x128xf32> to vector<2000x128xf32>
    %add3A_36 = arith.addf %dot_general3A_31, %add3A_35 : vector<2000x128xf32>
    %max3A_37 = arith.constant 0.000000e+00 : f32
    %max3A_38 = vector.broadcast %max3A_37 : f32 to vector<2000x128xf32>
    %max3A_39 = arith.maximumf %add3A_36, %max3A_38 : vector<2000x128xf32>
    %swap3A = arith.constant 0 : index
    %swap3A_40 = arith.constant 0 : index
    %swap3A_41 = vector.load %arg8[%swap3A, %swap3A_40] : memref<2000x128xf32, #tpu.memory_space<vmem>>, vector<2000x128xf32>
    tpu.vector_store %arg8[%swap3A, %swap3A_40], %max3A_39 {strides = array<i32>} : memref<2000x128xf32, #tpu.memory_space<vmem>>, vector<2000x128xf32>,
    return
  }
  func.func @transform_0(%arg0: i32) -> i32 {
    %c0_i32 = arith.constant 0 : i32
    %c0_i32_0 = arith.constant 0 : i32
    return %c0_i32 : i32
  }
  func.func @transform_1(%arg0: i32) -> (i32, i32) {
    %c0_i32 = arith.constant 0 : i32
    %c0_i32_0 = arith.constant 0 : i32
    return %arg0, %c0_i32 : i32, i32
  }
  func.func @transform_2(%arg0: i32) -> (i32, i32, i32) {
    %c0_i32 = arith.constant 0 : i32
    %c0_i32_0 = arith.constant 0 : i32
    %c0_i32_1 = arith.constant 0 : i32
    return %c0_i32, %arg0, %c0_i32_0 : i32, i32, i32
  }
  func.func @transform_3(%arg0: i32) -> (i32, i32) {
    %c0_i32 = arith.constant 0 : i32
    %c0_i32_0 = arith.constant 0 : i32
    %c0_i32_1 = arith.constant 0 : i32
    return %c0_i32, %c0_i32_0 : i32, i32
  }
  func.func @transform_4(%arg0: i32) -> (i32, i32) {
    %c0_i32 = arith.constant 0 : i32
    %c0_i32_0 = arith.constant 0 : i32
    %c0_i32_1 = arith.constant 0 : i32
    return %c0_i32, %c0_i32_0 : i32, i32
  }
  func.func @transform_5(%arg0: i32) -> (i32, i32) {
    %c0_i32 = arith.constant 0 : i32
    %c0_i32_0 = arith.constant 0 : i32
    %c0_i32_1 = arith.constant 0 : i32
    return %c0_i32, %c0_i32_0 : i32, i32
  }
  func.func @transform_6(%arg0: i32) -> (i32, i32) {
    %c0_i32 = arith.constant 0 : i32
    %c0_i32_0 = arith.constant 0 : i32
    %c0_i32_1 = arith.constant 0 : i32
    return %c0_i32, %c0_i32_0 : i32, i32
  }
  func.func @transform_7(%arg0: i32) -> (i32, i32) {
    %c0_i32 = arith.constant 0 : i32
    %c0_i32_0 = arith.constant 0 : i32
    return %arg0, %c0_i32 : i32, i32
  }
}

module attributes {stable_mosaic.version = 14 : i64} {
  func.func @_mlp_body(%arg0: i32, %arg1: memref<1xf32, #tpu.memory_space<smem>>, %arg2: memref<2000x128xf32, #tpu.memory_space<vmem>>, %arg3: memref<2x2000x128xf32, #tpu.memory_space<vmem>>, %arg4: memref<128x128xf32, #tpu.memory_space<vmem>>, %arg5: memref<1x128xf32, #tpu.memory_space<vmem>>, %arg6: memref<128x128xf32, #tpu.memory_space<vmem>>, %arg7: memref<1x128xf32, #tpu.memory_space<vmem>>, %arg8: memref<2000x128xf32, #tpu.memory_space<vmem>>) attributes {dimension_semantics = [#tpu.dimension_semantics<arbitrary>], iteration_bounds = array<i64: 5>, scalar_prefetch = 0 : i64, scratch_operands = 0 : i64, tpu.core_type = #tpu.core_type<tc>, window_params = [{transform_indices = @transform_0, window_bounds = array<i64: 1>}, {transform_indices = @transform_1, window_bounds = array<i64: 2000, 128>}, {transform_indices = @transform_2, window_bounds = array<i64: 2, 2000, 128>}, {pipeline_mode = #tpu.pipeline_mode<synchronous>, transform_indices = @transform_3, window_bounds = array<i64: 128, 128>}, {pipeline_mode = #tpu.pipeline_mode<synchronous>, transform_indices = @transform_4, window_bounds = array<i64: 1, 128>}, {pipeline_mode = #tpu.pipeline_mode<synchronous>, transform_indices = @transform_5, window_bounds = array<i64: 128, 128>}, {pipeline_mode = #tpu.pipeline_mode<synchronous>, transform_indices = @transform_6, window_bounds = array<i64: 1, 128>}, {transform_indices = @transform_7, window_bounds = array<i64: 2000, 128>}]} {
    %get3A = arith.constant 0 : index
    %get3A_0 = memref.load %arg1[%get3A] : memref<1xf32, #tpu.memory_space<smem>>
    %get3A_1 = arith.constant 0 : index
    %get3A_2 = arith.constant 0 : index
    %get3A_3 = vector.load %arg2[%get3A_1, %get3A_2] : memref<2000x128xf32, #tpu.memory_space<vmem>>, vector<2000x128xf32>
    %mul3A = vector.broadcast %get3A_0 : f32 to vector<2000x128xf32>
    %mul3A_4 = arith.mulf %get3A_3, %mul3A : vector<2000x128xf32>
    %get3A_5 = arith.constant 0 : index
    %get3A_6 = arith.constant 0 : index
    %get3A_7 = arith.constant 0 : index
    %get3A_8 = vector.load %arg3[%get3A_5, %get3A_6, %get3A_7] : memref<2x2000x128xf32, #tpu.memory_space<vmem>>, vector<1x2000x128xf32>
    %get3A_9 = vector.shape_cast %get3A_8 : vector<1x2000x128xf32> to vector<2000x128xf32>
    %add3A = arith.addf %mul3A_4, %get3A_9 : vector<2000x128xf32>
    %get3A_10 = arith.constant 1 : index
    %get3A_11 = arith.constant 0 : index
    %get3A_12 = arith.constant 0 : index
    %get3A_13 = vector.load %arg3[%get3A_10, %get3A_11, %get3A_12] : memref<2x2000x128xf32, #tpu.memory_space<vmem>>, vector<1x2000x128xf32>
    %get3A_14 = vector.shape_cast %get3A_13 : vector<1x2000x128xf32> to vector<2000x128xf32>
    %add3A_15 = arith.addf %add3A, %get3A_14 : vector<2000x128xf32>
    %get3A_16 = arith.constant 0 : index
    %get3A_17 = arith.constant 0 : index
    %get3A_18 = vector.load %arg4[%get3A_16, %get3A_17] : memref<128x128xf32, #tpu.memory_space<vmem>>, vector<128x128xf32>
    %dot_general3A = arith.constant dense<0.000000e+00> : vector<2000x128xf32>
    %dot_general3A_19 = tpu.matmul %add3A_15, %get3A_18, %dot_general3A {dimension_numbers = #tpu.dot_dimension_numbers<[1], [0], [0], [1], [0, 0, 1, 1], [], []>, transpose_lhs_hint = false} : vector<2000x128xf32>, vector<128x128xf32>, vector<2000x128xf32> -> vector<2000x128xf32>
    %get3A_20 = arith.constant 0 : index
    %get3A_21 = arith.constant 0 : index
    %get3A_22 = vector.load %arg5[%get3A_20, %get3A_21] : memref<1x128xf32, #tpu.memory_space<vmem>>, vector<1x128xf32>
    %add3A_23 = vector.broadcast %get3A_22 : vector<1x128xf32> to vector<2000x128xf32>
    %add3A_24 = arith.addf %dot_general3A_19, %add3A_23 : vector<2000x128xf32>
    %max3A = arith.constant 0.000000e+00 : f32
    %max3A_25 = vector.broadcast %max3A : f32 to vector<2000x128xf32>
    %max3A_26 = arith.maximumf %add3A_24, %max3A_25 : vector<2000x128xf32>
    %get3A_27 = arith.constant 0 : index
    %get3A_28 = arith.constant 0 : index
    %get3A_29 = vector.load %arg6[%get3A_27, %get3A_28] : memref<128x128xf32, #tpu.memory_space<vmem>>, vector<128x128xf32>
    %dot_general3A_30 = arith.constant dense<0.000000e+00> : vector<2000x128xf32>
    %dot_general3A_31 = tpu.matmul %max3A_26, %get3A_29, %dot_general3A_30 {dimension_numbers = #tpu.dot_dimension_numbers<[1], [0], [0], [1], [0, 0, 1, 1], [], []>, transpose_lhs_hint = false} : vector<2000x128xf32>, vector<128x128xf32>, vector<2000x128xf32> -> vector<2000x128xf32>
    %get3A_32 = arith.constant 0 : index
    %get3A_33 = arith.constant 0 : index
    %get3A_34 = vector.load %arg7[%get3A_32, %get3A_33] : memref<1x128xf32, #tpu.memory_space<vmem>>, vector<1x128xf32>
    %add3A_35 = vector.broadcast %get3A_34 : vector<1x128xf32> to vector<2000x128xf32>
    %add3A_36 = arith.addf %dot_general3A_31, %add3A_35 : vector<2000x128xf32>
    %max3A_37 = arith.constant 0.000000e+00 : f32
    %max3A_38 = vector.broadcast %max3A_37 : f32 to vector<2000x128xf32>
    %max3A_39 = arith.maximumf %add3A_36, %max3A_38 : vector<2000x128xf32>
    %swap3A = arith.constant 0 : index
    %swap3A_40 = arith.constant 0 : index
    %swap3A_41 = vector.load %arg8[%swap3A, %swap3A_40] : memref<2000x128xf32, #tpu.memory_space<vmem>>, vector<2000x128xf32>
    tpu.vector_store %arg8[%swap3A, %swap3A_40], %max3A_39 {strides = array<i32>} : memref<2000x128xf32, #tpu.memory_space<vmem>>, vector<2000x128xf32>,
    return
  }
  func.func @transform_0(%arg0: i32) -> i32 {
    %c0_i32 = arith.constant 0 : i32
    %c0_i32_0 = arith.constant 0 : i32
    return %c0_i32 : i32
  }
  func.func @transform_1(%arg0: i32) -> (i32, i32) {
    %c0_i32 = arith.constant 0 : i32
    %c0_i32_0 = arith.constant 0 : i32
    return %arg0, %c0_i32 : i32, i32
  }
  func.func @transform_2(%arg0: i32) -> (i32, i32, i32) {
    %c0_i32 = arith.constant 0 : i32
    %c0_i32_0 = arith.constant 0 : i32
    %c0_i32_1 = arith.constant 0 : i32
    return %c0_i32, %arg0, %c0_i32_0 : i32, i32, i32
  }
  func.func @transform_3(%arg0: i32) -> (i32, i32) {
    %c0_i32 = arith.constant 0 : i32
    %c0_i32_0 = arith.constant 0 : i32
    %c0_i32_1 = arith.constant 0 : i32
    return %c0_i32, %c0_i32_0 : i32, i32
  }
  func.func @transform_4(%arg0: i32) -> (i32, i32) {
    %c0_i32 = arith.constant 0 : i32
    %c0_i32_0 = arith.constant 0 : i32
    %c0_i32_1 = arith.constant 0 : i32
    return %c0_i32, %c0_i32_0 : i32, i32
  }
  func.func @transform_5(%arg0: i32) -> (i32, i32) {
    %c0_i32 = arith.constant 0 : i32
    %c0_i32_0 = arith.constant 0 : i32
    %c0_i32_1 = arith.constant 0 : i32
    return %c0_i32, %c0_i32_0 : i32, i32
  }
  func.func @transform_6(%arg0: i32) -> (i32, i32) {
    %c0_i32 = arith.constant 0 : i32
    %c0_i32_0 = arith.constant 0 : i32
    %c0_i32_1 = arith.constant 0 : i32
    return %c0_i32, %c0_i32_0 : i32, i32
  }
  func.func @transform_7(%arg0: i32) -> (i32, i32) {
    %c0_i32 = arith.constant 0 : i32
    %c0_i32_0 = arith.constant 0 : i32
    return %arg0, %c0_i32 : i32, i32
  }
}

</mosaic_0001>

<sc_bundles>
// kernel: kernel.6.cloned.1.call-start
scs
__scs_entry_jumppad:
0x0: {  	(pc) =	sbr.rel $0x88, $3  }
0x1: {  	(tag) =	ssettag $0x0;
	lr =	simm.s32 $0x1  }
0x2: {  	[smem:$0x3F95] =	sst lr;
	_ =	strace $0xD0000000  }
0x3: {  	_ = 	snop  }
0x4: {  	_ = 	snop  }
0x5: {  	_ = 	snop  }
0x6: {  	_ = 	snop  }
0x7: {  	_ = 	snop  }
__scs_overlays_trampoline_lowered:
0x8: {  	[smem:$0x3FA4] =	sst s0  }
0x9: {  	[smem:$0x3FA5] =	sst s1  }
0xa: {  	[smem:$0x3FA6] =	sst s2  }
0xb: {  	[smem:$0x3FA7] =	sst s3  }
0xc: {  	[smem:$0x3FA8] =	sst s4  }
0xd: {  	[smem:$0x3FA9] =	sst s5  }
0xe: {  	[smem:$0x3FAA] =	sst s6  }
0xf: {  	[smem:$0x3FAB] =	sst s7  }
0x10: {  	[smem:$0x3FAC] =	sst s8  }
0x11: {  	[smem:$0x3FAD] =	sst s9;
	s0 =	simm.s32 @!p0 $0x0  }
0x12: {  	s1 =	sld [smem:$0x3F93];
	s0 =	simm.s32 @p0 $0x1  }
0x13: {  	[smem:$0x3FAE] =	sst s0;
	s0 =	simm.s32 @!p1 $0x0  }
0x14: {  	s2 =	sld [smem:$0x3F92];
	s0 =	simm.s32 @p1 $0x1  }
0x15: {  	[smem:$0x3FAF] =	sst s0;
	s0 =	simm.s32 @!p2 $0x0  }
0x16: {  	s3 =	sld [smem:$0x3FDB];
	s0 =	simm.s32 @p2 $0x1  }
0x17: {  	s4 =	simm.s32 $0x1BF5;
	[smem:$0x3FB1] =	sst s0  }
0x18: {  	s0 =	sld [smem:$0x3F94];
	_ =	swait.ge [sflag:s4], $0x0  }
0x19: {  	s7 =	sld [smem:$0x3F95]  }
0x1a: {  	s8 =	sadd.s32 $0xFFFFE003, lr  }
0x1b: {  	s9 =	sadd.s32 $0xFFFFFEF7, lr;
	s5 =	simm.s32 $0xFFFFFFFF;
	p2 =	slt.u32 s8, $0xFFFFF086  }
0x1c: {  	p1 =	slt.u32 s9, $0xF7A;
	s5 =	simm.s32 @!p2 $0x0  }
0x1d: {  	s5 =	simm.s32 @p1 $0x1;
	p0 =	seq.s32 s7, s2  }
0x1e: {  	s7 =	smul.u32 @!p0 $0xF7A, s2;
	p2 =	seq.s32 @!p0 s5, $0x0  }
0x1f: {  	s9 =	smul.u32 $0xF7A, s1;
	s8 =	simm.s32 @!p0 $0x1BF5;
	p2 =	por !p2, p0  }
0x20: {  	[sflag:s8] =	ssyncset.s32 @!p0 $0xFFFFF086;
	s6 =	sadd.s32 @!p0 s3, s7;
	s7 =	simm.s32 @!p0 $0x108  }
0x21: {  	s3 =	sadd.s32 s3, s9;
	s6 =	sadd.s32 @!p0 $0x88, s6;
	s7 =	simm.s32 @p2 $0x1082  }
0x22: {  	[simem:s7], [sflag:s8] =	dma.local @!p0 [hbm:s6], $0xF7A  }
0x23: {  	s9 =	sor.u32 $0xD0000000, s2;
	s6 =	simm.s32 $0x108;
	_ =	swait.ge @!p0 [sflag:s8], $0x0  }
0x24: {  	s3 =	sadd.s32 $0x88, s3;
	s6 =	simm.s32 @!p1 $0x1082;
	[sflag:s4] =	ssyncset.s32 $0xFFFFF086  }
0x25: {  	[simem:s6], [sflag:s4] =	dma.local [hbm:s3], $0xF7A  }
0x26: {  	[smem:$0x3F95] =	sst s1;
	(tag) =	ssettag s2;
	_ =	strace s9  }
0x27: {  	s1 =	sld [smem:$0x3FA5]  }
0x28: {  	s2 =	sld [smem:$0x3FA6]  }
0x29: {  	s4 =	sld [smem:$0x3FA8]  }
0x2a: {  	p0 =	seq.s32 s5, $0x0;
	s5 =	sld [smem:$0x3FA9]  }
0x2b: {  	s6 =	sld [smem:$0x3FAA]  }
0x2c: {  	s7 =	sld [smem:$0x3FAB]  }
0x2d: {  	s3 =	simm.s32 $0x108;
	s8 =	sld [smem:$0x3FAC]  }
0x2e: {  	s3 =	simm.s32 @!p0 $0x1082;
	s9 =	sld [smem:$0x3FAD]  }
0x2f: {  	lr =	sadd.s32 s0, s3;
	s0 =	sld [smem:$0x3FA4]  }
0x30: {  	s3 =	sld [smem:$0x3FA7]  }
0x31: {  	[smem:$0x3FB0] =	sst s10  }
0x32: {  	s10 =	sld [smem:$0x3FAE];
	_ =	sdelay $0x3  }
0x33: {  	p0 =	seq.s32 s10, $0x1;
	s10 =	sld [smem:$0x3FB0];
	_ =	sdelay $0x3  }
0x34: {  	[smem:$0x3FB0] =	sst s10  }
0x35: {  	s10 =	sld [smem:$0x3FAF];
	_ =	sdelay $0x3  }
0x36: {  	p1 =	seq.s32 s10, $0x1;
	s10 =	sld [smem:$0x3FB0];
	_ =	sdelay $0x3  }
0x37: {  	[smem:$0x3FB0] =	sst s10  }
0x38: {  	s10 =	sld [smem:$0x3FB1]  }
0x39: {  	_ = 	snop;
	(pc) =	sbr.ind lr, $3  }
0x3a: {  	_ = 	snop  }
0x3b: {  	_ = 	snop  }
0x3c: {  	p2 =	seq.s32 s10, $0x1;
	s10 =	sld [smem:$0x3FB0]  }
0x3d: {  	_ =	shalt  }
0x3e: {  	_ =	shalt  }
0x3f: {  	_ =	shalt  }
0x40: {  	_ =	shalt  }
0x41: {  	_ =	shalt  }
0x42: {  	_ =	shalt  }
0x43: {  	_ =	shalt  }
0x44: {  	_ =	shalt  }
0x45: {  	_ =	shalt  }
0x46: {  	_ =	shalt  }
0x47: {  	_ =	shalt  }
0x48: {  	_ =	shalt  }
0x49: {  	_ =	shalt  }
0x4a: {  	_ =	shalt  }
0x4b: {  	_ =	shalt  }
0x4c: {  	_ =	shalt  }
0x4d: {  	_ =	shalt  }
0x4e: {  	_ =	shalt  }
0x4f: {  	_ =	shalt  }
0x50: {  	_ =	shalt  }
0x51: {  	_ =	shalt  }
0x52: {  	_ =	shalt  }
0x53: {  	_ =	shalt  }
0x54: {  	_ =	shalt  }
0x55: {  	_ =	shalt  }
0x56: {  	_ =	shalt  }
0x57: {  	_ =	shalt  }
0x58: {  	_ =	shalt  }
0x59: {  	_ =	shalt  }
0x5a: {  	_ =	shalt  }
0x5b: {  	_ =	shalt  }
0x5c: {  	_ =	shalt  }
0x5d: {  	_ =	shalt  }
0x5e: {  	_ =	shalt  }
0x5f: {  	_ =	shalt  }
0x60: {  	_ =	shalt  }
0x61: {  	_ =	shalt  }
0x62: {  	_ =	shalt  }
0x63: {  	_ =	shalt  }
0x64: {  	_ =	shalt  }
0x65: {  	_ =	shalt  }
0x66: {  	_ =	shalt  }
0x67: {  	_ =	shalt  }
0x68: {  	_ =	shalt  }
0x69: {  	_ =	shalt  }
0x6a: {  	_ =	shalt  }
0x6b: {  	_ =	shalt  }
0x6c: {  	_ =	shalt  }
0x6d: {  	_ =	shalt  }
0x6e: {  	_ =	shalt  }
0x6f: {  	_ =	shalt  }
0x70: {  	_ =	shalt  }
0x71: {  	_ =	shalt  }
0x72: {  	_ =	shalt  }
0x73: {  	_ =	shalt  }
0x74: {  	_ =	shalt  }
0x75: {  	_ =	shalt  }
0x76: {  	_ =	shalt  }
0x77: {  	_ =	shalt  }
0x78: {  	_ =	shalt  }
0x79: {  	_ =	shalt  }
0x7a: {  	_ =	shalt  }
0x7b: {  	_ =	shalt  }
0x7c: {  	_ =	shalt  }
0x7d: {  	_ =	shalt  }
0x7e: {  	_ =	shalt  }
0x7f: {  	_ =	shalt  }
0x80: {  	_ =	shalt  }
0x81: {  	_ =	shalt  }
0x82: {  	_ =	shalt  }
0x83: {  	_ =	shalt  }
0x84: {  	_ =	shalt  }
0x85: {  	_ =	shalt  }
0x86: {  	_ =	shalt  }
0x87: {  	_ =	shalt  }
.Lfunc_end0:
.L_simem_size_0:
called_computation_lowered:
.L_overlay_start_0:
0x88: {  	s2 =	sld [smem:$0x3FD9]  }
0x89: {  	s3 =	sld [smem:$0x3FFE];
	_ =	sdelay $0x1  }
0x8a: {  	s1 =	srdreg.scid  }
0x8b: {  	s0 =	sand.u32 $0x1, s1  }
0x8c: {  	s17 =	sshll.u32 s0, $0xA;
	s2 =	sadd.s32 s3, s2  }
0x8d: {  	s2 =	sadd.s32 s2, s17  }
0x8e: {  	[smem:$0x3FBC] =	sst s2  }
0x8f: {  	_ = 	snop  }
0x90: {  	s2 =	sld [smem:$0x3FC9];
	(tm) =	ssettm $0x1  }
0x91: {  	s18 =	sld [smem:$0x3FFB];
	_ =	sdelay $0x3  }
0x92: {  	_ =	strace s18  }
0x93: {  	s3 =	sld [smem:$0x3FFC];
	_ =	sdelay $0x3  }
0x94: {  	_ =	strace s3  }
0x95: {  	s3 =	sld [smem:$0x3FFD];
	_ =	sdelay $0x3  }
0x96: {  	_ =	strace s3  }
0x97: {  	_ =	strace $0x8FFFFFFF  }
0x98: {  	s19 =	sld [smem:$0x3FDB];
	_ =	sdelay $0x1  }
0x99: {  	s4 =	simm.s32 $_scs_section_size  }
0x9a: {  	s5 =	simm.s32 $_size__tile_overlayer_lowered;
	s6 =	simm.s32 $_tile_overlayer_lowered  }
0x9b: {  	s22 =	simm.s32 $0x1BFF;
	s21 =	sshll.u32 s6, $0x1;
	s3 =	sadd.s32 s4, s19  }
0x9c: {  	s7 =	simm.s32 $0x0;
	s20 =	sshll.u32 s5, $0x1;
	s5 =	sadd.s32 s21, s3  }
0x9d: {  	[timem:s7], [sflag:s22] =	dma.local [hbm:s5], s20  }
0x9e: {  	_ =	swait.ge [sflag:s22], s20  }
0x9f: {  	s4 =	ssub.s32 $0x0, s20;
	[sflag:s22] =	ssyncset.done $0x0  }
0xa0: {  	[sflag:s22] =	ssyncadd.s32 s4;
	_ =	sdelay $0x1  }
0xa1: {  	s23 =	simm.s32 $0x1B8B  }
0xa2: {  	_ =	swait.ge [sflag:s23], $0x1  }
0xa3: {  	[sflag:s23] =	ssyncset.done $0x0  }
0xa4: {  	s25 =	simm.s32 $0x1B8E;
	s24 =	sld [smem:$0x3FFE];
	[sflag:s23] =	ssyncadd.s32 $0xFFFFFFFF  }
0xa5: {  	s26 =	simm.s32 $execute0_lowered;
	[smem:$0x3FD2] =	sst s25  }
0xa6: {  	s5 =	sshll.u32 s26, $0x1;
	_ =	strace $0x80000046;
	[dreg:$0x1] =	wrdreg $0xFFFFFFFF  }
0xa7: {  	s28 =	simm.s32 $_size_execute0_lowered;
	s3 =	sadd.s32 s3, s5;
	[dreg:$0x0] =	wrdreg $0x0  }
0xa8: {  	s5 =	sshll.u32 s28, $0x1;
	[dreg:$0x2] =	wrdreg s3  }
0xa9: {  	[dreg:$0x3] =	wrdreg s5  }
0xaa: {  	[dreg:$0x4] =	wrdreg $0xC0  }
0xab: {  	_ =	task [dreg:s7], $0x5FFFF  }
0xac: {  	[dreg:$0x1] =	wrdreg $0xFFFFFFFF  }
0xad: {  	[dreg:$0x0] =	wrdreg $0x60  }
0xae: {  	[dreg:$0x2] =	wrdreg s24  }
0xaf: {  	[dreg:$0x3] =	wrdreg s2  }
0xb0: {  	[dreg:$0x4] =	wrdreg $0xA9000  }
0xb1: {  	[dreg:$0x5] =	wrdreg $0x9  }
0xb2: {  	_ =	task.clear_ibuf [dreg:s7], $0x6FFFF;
	_ =	strace $0x90000046  }
0xb3: {  	s29 =	simm.s32 $0x9;
	_ =	strace $0x80000048  }
0xb4: {  	_ =	swait.ge [sflag:s29], $0x1  }
0xb5: {  	[sflag:s29] =	ssyncadd.s32 $0xFFFFFFFF  }
0xb6: {  	_ =	strace $0x90000048  }
0xb7: {  	_ =	sfence  }
0xb8: {  	s30 =	sld [smem:$0x0];
	_ =	sdelay $0x2  }
0xb9: {  	s31 =	sshll.u32 s1, $0xD;
	s1 =	sshrl.u32 s1, $0x2  }
0xba: {  	s3 =	sand.u32 $0x4000, s31;
	s1 =	sadd.s32 s1, s30  }
0xbb: {  	s0 =	sor.u32 s3, s0;
	s1 =	sshll.u32 s1, $0x11  }
0xbc: {  	s0 =	sor.u32 s1, s0  }
0xbd: {  	s0 =	sadd.s32 $0x8F2B, s0  }
0xbe: {  	[sflag:s0] =	ssyncadd.remote.s32 $0x1  }
0xbf: {  	_ =	sfence.sel $0xFFFF  }
0xc0: {  	[dreg:$0x0] =	wrdreg $0xFFFFFFFF;
	(pc) =	sbr.abs _section_cstart, $3  }
0xc1: {  	[dreg:$0x1] =	wrdreg $0xFFFFFFFF  }
0xc2: {  	_ =	task.clear_ibuf [dreg:s7], $0x2FFFF;
	_ =	strace $0x9FFFFFFF  }
0xc3: {  	(tm) =	ssettm $0x7FFFFFFF  }
tec
execute0_lowered:
.L_overlay_start_1:
0x0: {  	(tag) =	ssettag $0x1  }
0x1: {  	s0 =	rddreg [dreg:$0x0]  }
0x2: {  	s2 =	rddreg [dreg:$0x1]  }
0x3: {  	s1 =	srdreg.scid;
	s11 =	stileid.u32  }
0x4: {  	s3 =	rddreg [dreg:$0x2];
	s4 =	simm.s32 $0x0;
	s7 =	smul.u32 $0x13C00, s11  }
0x5: {  	s28 =	simm.s32 $0x1;
	s29 =	simm.s32 $0x3;
	s8 =	smul.u32 $0x4F000, s11  }
0x6: {  	s30 =	simm.s32 $0x2;
	s1 =	sand.u32 $0x1, s1;
	s18 =	smul.u32 $0x4E20, s11  }
0x7: {  	s5 =	sshll.u32 s11, $0x1;
	[smem:$0x7FF] =	sst s4;
	s6 =	smul.u32 $0x13C000, s1  }
0x8: {  	s5 =	sor.u32 s1, s5;
	s10 =	ssub.s32 $0x2, s1;
	s1 =	smul.u32 $0x2710, s1  }
0x9: {  	s31 =	simm.s32 $0x4;
	_ =	strace $0x80000047;
	s5 =	smul.u32 $0x2710, s5  }
0xa: {  	s17 =	sshrl.u32 s8, $0x2;
	s19 =	sshrl.u32 s10, $0x1;
	s6 =	sadd.s32 s7, s6  }
0xb: {  	s10 =	ssub.s32 s10, s19;
	s1 =	sadd.s32 s1, s18;
	s19 =	simm.s32 $0x6900  }
0xc: {  	s16 =	sshrl.u32 s5, $0x3;
	s6 =	sshrl.u32 s6, $0x3;
	s5 =	sadd.s32 $0x2000, s0  }
0xd: {  	s25 =	sadd.s32 $0x180, s1;
	s18 =	sadd.s32 $0x100, s1;
	s1 =	simm.s32 $0x6  }
0xe: {  	s9 =	sadd.s32 s16, s0;
	s0 =	sadd.s32 s6, s0;
	s6 =	sadd.s32 s17, s3  }
0xf: {  	s12 =	sadd.s32 s5, s16;
	s7 =	sshrl.u32 s25, $0x3;
	s20 =	sadd.s32 $0x4000, s6  }
0x10: {  	s16 =	smax.u32 s10, $0x1;
	s21 =	sadd.s32 $0x8000, s6;
	[dreg:$0x4] =	wrdreg s20  }
0x11: {  	s25 =	simm.s32 $0x5;
	s22 =	sadd.s32 $0xC000, s6;
	[dreg:$0x5] =	wrdreg s21  }
0x12: {  	s23 =	sadd.s32 $0x10000, s6;
	s24 =	sadd.s32 $0xBE00, s9;
	[dreg:$0x6] =	wrdreg s22  }
0x13: {  	s26 =	sadd.s32 $0x10, s12;
	s14 =	sadd.s32 $0x4E0, s12;
	[dreg:$0x7] =	wrdreg s23  }
0x14: {  	s15 =	sadd.s32 $0x15C00, s0;
	s17 =	sadd.s32 s7, s5;
	[dreg:$0x8] =	wrdreg s24  }
0x15: {  	s0 =	simm.s32 $0x10;
	s7 =	simm.s32 $0x0;
	[dreg:$0x9] =	wrdreg s26  }
0x16: {  	s20 =	simm.s32 $0x7;
	s21 =	simm.s32 $0x2780;
	s22 =	simm.s32 $0x2800  }
0x17: {  	v0 =	vimm.f32 $0.0e+00;
	s23 =	simm.s32 $0x2900;
	s24 =	simm.s32 $0x2880;
	s26 =	simm.s32 $0x80  }
.LBB2_1:
0x18: {  	s8 =	simm.s32 $0x0;
	s9 =	simm.s32 $0x200  }
.LBB2_2:
0x19: {  	p0 =	sne.s32 s9, $0xFE00;
	[tilespmem:s8+$0x6970] =	vst v0  }
0x1a: {  	[tilespmem:s8+$0x6900] =	vst v0  }
0x1b: {  	[tilespmem:s8+$0x6910] =	vst v0  }
.Ltmp0:
0x1c: {  	[tilespmem:s8+$0x6920] =	vst v0;
	(pc) =	sbr.rel @p0 .LBB2_2-.Ltmp0, $4  }
0x1d: {  	[tilespmem:s8+$0x6930] =	vst v0  }
0x1e: {  	[tilespmem:s8+$0x6940] =	vst v0  }
0x1f: {  	[tilespmem:s8+$0x6950] =	vst v0  }
0x20: {  	[tilespmem:s8+$0x6960] =	vst v0;
	s8 =	sshra.s32 s9, $0x2;
	s9 =	sadd.s32 $0x200, s9  }
0x21: {  	[tilespmem:s8+$0x6970] =	vst v0  }
0x22: {  	[tilespmem:s8+$0x6900] =	vst v0  }
0x23: {  	[tilespmem:s8+$0x6910] =	vst v0  }
0x24: {  	[tilespmem:s8+$0x6920] =	vst v0  }
0x25: {  	[tilespmem:s8+$0x6930] =	vst v0  }
0x26: {  	[tilespmem:s8+$0x6940] =	vst v0  }
0x27: {  	[tilespmem:s8+$0x6950] =	vst v0  }
0x28: {  	[tilespmem:s8+$0x6960] =	vst v0  }
0x29: {  	[spmem:s6] =	stream.linear.scatter [tilespmem:s19], [sflag:$0x5], $0x4000, $0x38;
	[tilespmem:$0x1E500] =	vst v63  }
0x2a: {  	s11 =	rddreg [dreg:$0x4]  }
0x2b: {  	[spmem:s11] =	stream.linear.scatter [tilespmem:s19], [sflag:$0x5], $0x4000, $0x38;
	[tilespmem:$0x1E500] =	vst v63  }
0x2c: {  	s13 =	rddreg [dreg:$0x5]  }
0x2d: {  	[spmem:s13] =	stream.linear.scatter [tilespmem:s19], [sflag:$0x5], $0x4000, $0x38;
	[tilespmem:$0x1E500] =	vst v63  }
0x2e: {  	s9 =	rddreg [dreg:$0x6]  }
0x2f: {  	[spmem:s9] =	stream.linear.scatter [tilespmem:s19], [sflag:$0x5], $0x4000, $0x38;
	[tilespmem:$0x1E500] =	vst v63  }
0x30: {  	s10 =	rddreg [dreg:$0x7]  }
0x31: {  	[spmem:s10] =	stream.linear.scatter [tilespmem:s19], [sflag:$0x5], $0x3C00, $0x38;
	[tilespmem:$0x1E500] =	vst v63  }
0x32: {  	s11 =	simm.s32 $0x0;
	s9 =	rddreg [dreg:$0x8]  }
0x33: {  	[tilespmem:s11], [sflag:$0x7] =	stream.linear.gather [hbm4b:s9+s11], $0x2710, $0x38;
	[tilespmem:$0x1E500] =	vst v63  }
0x34: {  	_ =	swait.ge [sflag:s20], $0x2710  }
0x35: {  	[sflag:s20] =	ssyncset.done $0x0  }
0x36: {  	[sflag:s20] =	ssyncadd.s32 $0xFFFFD8F0  }
0x37: {  	[tilespmem:s21], [sflag:$0x3] =	stream.linear.gather [hbm4b:s12+s11], $0x80, $0x38;
	[tilespmem:$0x1E500] =	vst v63  }
0x38: {  	s13 =	rddreg [dreg:$0x9]  }
0x39: {  	[tilespmem:s22], [sflag:$0x4] =	stream.linear.gather [hbm4b:s13+s11], $0x80, $0x38;
	[tilespmem:$0x1E500] =	vst v63  }
0x3a: {  	s10 =	simm.s32 $0x80  }
0x3b: {  	[tilespmem:s23], [sflag:$0x1] =	stream.indirect.gather [hbm4b:s2+s10], $0x80, s11, s10, $0xb8;
	[tilespmem:$0x1E500] =	vst v63  }
0x3c: {  	_ = 	snop  }
0x3d: {  	[tilespmem:s24], [sflag:$0x6] =	stream.linear.gather [hbm4b:s14+s11], $0x10, $0x38;
	[tilespmem:$0x1E500] =	vst v63  }
0x3e: {  	_ =	swait.ge [sflag:s25], $0x4000  }
0x3f: {  	[sflag:s25] =	ssyncset.done $0x0  }
0x40: {  	[sflag:s25] =	ssyncadd.s32 $0xFFFFC000  }
0x41: {  	_ =	swait.ge [sflag:s25], $0x4000  }
0x42: {  	[sflag:s25] =	ssyncset.done $0x0  }
0x43: {  	[sflag:s25] =	ssyncadd.s32 $0xFFFFC000  }
0x44: {  	_ =	swait.ge [sflag:s25], $0x4000  }
0x45: {  	[sflag:s25] =	ssyncset.done $0x0  }
0x46: {  	[sflag:s25] =	ssyncadd.s32 $0xFFFFC000  }
0x47: {  	_ =	swait.ge [sflag:s25], $0x4000  }
0x48: {  	[sflag:s25] =	ssyncset.done $0x0  }
0x49: {  	[sflag:s25] =	ssyncadd.s32 $0xFFFFC000  }
0x4a: {  	_ =	swait.ge [sflag:s25], $0x3C00  }
0x4b: {  	[sflag:s25] =	ssyncset.done $0x0  }
0x4c: {  	[sflag:s25] =	ssyncadd.s32 $0xFFFFC400  }
0x4d: {  	[bflag:$0x0] =	sbarrier.arrive $0xFFFF  }
0x4e: {  	[tilespmem:s19], [sflag:$0x2] =	stream.indirect.gather [hbm4b:s2+s26], $0x80, s10, s26, $0xb8;
	[tilespmem:$0x1E500] =	vst v63  }
0x4f: {  	_ =	swait.ge [sflag:s28], $0x4000  }
0x50: {  	[sflag:s28] =	ssyncset.done $0x0  }
0x51: {  	[sflag:s28] =	ssyncadd.s32 $0xFFFFC000  }
0x52: {  	_ =	swait.ge [sflag:s29], $0x80  }
0x53: {  	[sflag:s29] =	ssyncset.done $0x0  }
0x54: {  	[sflag:s29] =	ssyncadd.s32 $0xFFFFFF80  }
0x55: {  	[spmem:s3] =	stream.indirect.scatter.add.f32 [tilespmem:s23], [sflag:$0x7], $0x80, s21, s26, $0xb8;
	[tilespmem:$0x1E500] =	vst v63  }
0x56: {  	_ =	swait.ge [sflag:s20], $0x4000  }
0x57: {  	s11 =	sshrl.u32 s18, $0x3;
	[sflag:s20] =	ssyncset.done $0x0  }
0x58: {  	s8 =	sadd.s32 s5, s11;
	[sflag:s20] =	ssyncadd.s32 $0xFFFFC000  }
0x59: {  	[tilespmem:s21], [sflag:$0x3] =	stream.linear.gather [hbm4b:s8+s4], $0x80, $0x38;
	[tilespmem:$0x1E500] =	vst v63  }
0x5a: {  	s13 =	simm.s32 $0x100  }
0x5b: {  	[tilespmem:s23], [sflag:$0x1] =	stream.indirect.gather [hbm4b:s2+s26], $0x80, s13, s26, $0xb8;
	[tilespmem:$0x1E500] =	vst v63  }
0x5c: {  	_ =	swait.ge [sflag:s30], $0x4000  }
0x5d: {  	[sflag:s30] =	ssyncset.done $0x0  }
0x5e: {  	[sflag:s30] =	ssyncadd.s32 $0xFFFFC000  }
0x5f: {  	_ =	swait.ge [sflag:s31], $0x80  }
0x60: {  	[sflag:s31] =	ssyncset.done $0x0  }
0x61: {  	[sflag:s31] =	ssyncadd.s32 $0xFFFFFF80  }
0x62: {  	[spmem:s3] =	stream.indirect.scatter.add.f32 [tilespmem:s19], [sflag:$0x7], $0x80, s22, s26, $0xb8;
	[tilespmem:$0x1E500] =	vst v63  }
0x63: {  	_ =	swait.ge [sflag:s20], $0x4000  }
0x64: {  	s9 =	sadd.s32 $0x100, s18;
	s11 =	sadd.s32 $0x0, s17;
	[sflag:s20] =	ssyncset.done $0x0  }
0x65: {  	s10 =	simm.s32 $0x180;
	s8 =	simm.s32 $0x20;
	[sflag:s20] =	ssyncadd.s32 $0xFFFFC000  }
.LBB2_4:
0x66: {  	[tilespmem:s22], [sflag:$0x4] =	stream.linear.gather [hbm4b:s11+s4], $0x80, $0x38;
	[tilespmem:$0x1E500] =	vst v63  }
0x67: {  	p0 =	sne.s32 s8, $0x4A0;
	s11 =	smov.u32 s8;
	s8 =	sadd.s32 $0x20, s8  }
0x68: {  	[tilespmem:s19], [sflag:$0x2] =	stream.indirect.gather [hbm4b:s2+s26], $0x80, s10, s26, $0xb8;
	[tilespmem:$0x1E500] =	vst v63  }
0x69: {  	_ =	swait.ge [sflag:s28], $0x4000  }
0x6a: {  	[sflag:s28] =	ssyncset.done $0x0  }
0x6b: {  	[sflag:s28] =	ssyncadd.s32 $0xFFFFC000  }
0x6c: {  	_ =	swait.ge [sflag:s29], $0x80  }
0x6d: {  	[sflag:s29] =	ssyncset.done $0x0  }
0x6e: {  	[sflag:s29] =	ssyncadd.s32 $0xFFFFFF80  }
0x6f: {  	[spmem:s3] =	stream.indirect.scatter.add.f32 [tilespmem:s23], [sflag:$0x7], $0x80, s21, s26, $0xb8;
	[tilespmem:$0x1E500] =	vst v63  }
0x70: {  	_ =	swait.ge [sflag:s20], $0x4000  }
0x71: {  	s13 =	sshrl.u32 s9, $0x3;
	[sflag:s20] =	ssyncset.done $0x0  }
0x72: {  	s13 =	sadd.s32 s5, s13;
	[sflag:s20] =	ssyncadd.s32 $0xFFFFC000  }
0x73: {  	[tilespmem:s21], [sflag:$0x3] =	stream.linear.gather [hbm4b:s13+s4], $0x80, $0x38;
	[tilespmem:$0x1E500] =	vst v63  }
0x74: {  	s13 =	sadd.s32 $0x80, s10  }
0x75: {  	[tilespmem:s23], [sflag:$0x1] =	stream.indirect.gather [hbm4b:s2+s26], $0x80, s13, s26, $0xb8;
	[tilespmem:$0x1E500] =	vst v63  }
0x76: {  	_ =	swait.ge [sflag:s30], $0x4000  }
0x77: {  	[sflag:s30] =	ssyncset.done $0x0  }
0x78: {  	[sflag:s30] =	ssyncadd.s32 $0xFFFFC000  }
0x79: {  	_ =	swait.ge [sflag:s31], $0x80  }
0x7a: {  	[sflag:s31] =	ssyncset.done $0x0  }
.Ltmp1:
0x7b: {  	[sflag:s31] =	ssyncadd.s32 $0xFFFFFF80;
	(pc) =	sbr.rel @p0 .LBB2_4-.Ltmp1, $4  }
0x7c: {  	[spmem:s3] =	stream.indirect.scatter.add.f32 [tilespmem:s19], [sflag:$0x7], $0x80, s22, s26, $0xb8;
	[tilespmem:$0x1E500] =	vst v63  }
0x7d: {  	_ =	swait.ge [sflag:s20], $0x4000  }
0x7e: {  	s9 =	sadd.s32 $0x100, s9;
	[sflag:s20] =	ssyncset.done $0x0  }
0x7f: {  	s11 =	sadd.s32 s11, s17;
	s10 =	sadd.s32 $0x100, s10;
	[sflag:s20] =	ssyncadd.s32 $0xFFFFC000  }
0x80: {  	[tilespmem:s22], [sflag:$0x4] =	stream.linear.gather [hbm4b:s11+s4], $0x80, $0x38;
	[tilespmem:$0x1E500] =	vst v63  }
0x81: {  	s8 =	simm.s32 $0x2680  }
0x82: {  	[tilespmem:s19], [sflag:$0x2] =	stream.indirect.gather [hbm4b:s2+s26], $0x80, s8, s26, $0xb8;
	[tilespmem:$0x1E500] =	vst v63  }
0x83: {  	_ =	swait.ge [sflag:s28], $0x4000  }
0x84: {  	[sflag:s28] =	ssyncset.done $0x0  }
0x85: {  	[sflag:s28] =	ssyncadd.s32 $0xFFFFC000  }
0x86: {  	_ =	swait.ge [sflag:s29], $0x80  }
0x87: {  	[sflag:s29] =	ssyncset.done $0x0  }
0x88: {  	[sflag:s29] =	ssyncadd.s32 $0xFFFFFF80  }
0x89: {  	[spmem:s3] =	stream.indirect.scatter.add.f32 [tilespmem:s23], [sflag:$0x7], $0x80, s21, s26, $0xb8;
	[tilespmem:$0x1E500] =	vst v63  }
0x8a: {  	_ =	swait.ge [sflag:s20], $0x4000  }
0x8b: {  	[sflag:s20] =	ssyncset.done $0x0  }
0x8c: {  	[sflag:s20] =	ssyncadd.s32 $0xFFFFC000  }
0x8d: {  	_ =	swait.ge [sflag:s30], $0x4000  }
0x8e: {  	[sflag:s30] =	ssyncset.done $0x0  }
0x8f: {  	[sflag:s30] =	ssyncadd.s32 $0xFFFFC000  }
0x90: {  	_ =	swait.ge [sflag:s31], $0x80  }
0x91: {  	[sflag:s31] =	ssyncset.done $0x0  }
0x92: {  	[sflag:s31] =	ssyncadd.s32 $0xFFFFFF80  }
0x93: {  	[spmem:s3] =	stream.indirect.scatter.add.f32 [tilespmem:s19], [sflag:$0x7], $0x80, s22, s26, $0xb8;
	[tilespmem:$0x1E500] =	vst v63  }
0x94: {  	_ =	swait.ge [sflag:s20], $0x4000  }
0x95: {  	[sflag:s20] =	ssyncset.done $0x0  }
0x96: {  	[sflag:s20] =	ssyncadd.s32 $0xFFFFC000  }
0x97: {  	_ =	swait.ge [sflag:s1], $0x10  }
0x98: {  	[sflag:s1] =	ssyncset.done $0x0  }
0x99: {  	s11 =	simm.s32 $0x2700;
	[sflag:s1] =	ssyncadd.s32 $0xFFFFFFF0  }
0x9a: {  	[tilespmem:s23], [sflag:$0x1] =	stream.indirect.gather [hbm4b:s2+s0], $0x80, s11, s0, $0xb8;
	[tilespmem:$0x1E500] =	vst v63  }
0x9b: {  	_ =	swait.ge [sflag:s28], $0x800  }
0x9c: {  	[sflag:s28] =	ssyncset.done $0x0  }
0x9d: {  	[sflag:s28] =	ssyncadd.s32 $0xFFFFF800  }
0x9e: {  	[spmem:s3] =	stream.indirect.scatter.add.f32 [tilespmem:s23], [sflag:$0x7], $0x80, s24, s0, $0xb8;
	[tilespmem:$0x1E500] =	vst v63  }
0x9f: {  	s13 =	stileid.u32;
	_ =	swait.ge [sflag:s20], $0x800  }
0xa0: {  	s9 =	sshrl.u32 s6, $0x3;
	s7 =	sadd.s32 $0x1, s7;
	[sflag:s20] =	ssyncset.done $0x0  }
0xa1: {  	p0 =	sne.s32 s7, s16;
	s8 =	sshll.u32 s13, $0x6;
	[sflag:s20] =	ssyncadd.s32 $0xFFFFF800  }
.Ltmp2:
0xa2: {  	s8 =	sor.u32 $0x1C07, s8;
	[bflag:$0x0] =	sbarrier.arrive $0xFFFF;
	(pc) =	sbr.rel @p0 .LBB2_1-.Ltmp2, $4  }
0xa3: {  	[hbm:s15], [sflag:s8] =	dma.local [spmem:s9], $0x2780  }
0xa4: {  	_ =	swait.ge [sflag:s20], $0x2780  }
0xa5: {  	[sflag:s20] =	ssyncset.done $0x0  }
0xa6: {  	[sflag:s20] =	ssyncadd.s32 $0xFFFFD880  }
0xa7: {  	_ =	sfence.sel $0x180000  }
0xa8: {  	[bflag:$0x0] =	sbarrier.arrive $0xFFFF  }
0xa9: {  	_ =	strace $0x90000047  }
0xaa: {  	s0 =	stileid.u32;
	[bflag:$0x2] =	sbarrier.arrive $0xFFFF  }
0xab: {  	p0 =	sne.s32 s0, $0x0;
	s0 =	rddreg [dreg:$0x3]  }
0xac: {  	s0 =	sadd.s32 @!p0 $0x100000, s0  }
0xad: {  	[sflag:s0] =	ssyncadd.tile.s32 @!p0 $0x1;
	_ =	shalt  }
.Lfunc_end2:
_tile_overlayer_lowered:
.L_overlay_start_2:
0xae: {  	(tag) =	ssettag $0x2  }
0xaf: {  	s0 =	rddreg [dreg:$0x0];
	s2 =	stileid.u32  }
0xb0: {  	s1 =	rddreg [dreg:$0x1];
	p0 =	sne.s32 s2, $0x0  }
0xb1: {  	s3 =	rddreg [dreg:$0x2];
	[bflag:$0x3] =	sbarrier.arrive $0xFFFF;
	s2 =	simm.s32 @!p0 $0x1C07  }
0xb2: {  	[timem:s3], [sflag:s2] =	dma.local @!p0 [hbm:s0], s1  }
0xb3: {  	s0 =	simm.s32 @!p0 $0x7  }
0xb4: {  	_ =	swait.ge @!p0 [sflag:s0], s1  }
0xb5: {  	s1 =	ssub.s32 @!p0 $0x0, s1;
	[sflag:s0] =	ssyncset.done @!p0 $0x0  }
0xb6: {  	[sflag:s0] =	ssyncadd.s32 @!p0 s1  }
0xb7: {  	[bflag:$0x3] =	sbarrier.arrive $0xFFFF  }
0xb8: {  	_ =	shalt  }

// kernel: kernel.9.cloned.1.call-start
scs
__scs_entry_jumppad:
0x0: {  	(pc) =	sbr.rel $0x88, $3  }
0x1: {  	(tag) =	ssettag $0x0;
	lr =	simm.s32 $0x1  }
0x2: {  	[smem:$0x3F95] =	sst lr;
	_ =	strace $0xD0000000  }
0x3: {  	_ = 	snop  }
0x4: {  	_ = 	snop  }
0x5: {  	_ = 	snop  }
0x6: {  	_ = 	snop  }
0x7: {  	_ = 	snop  }
__scs_overlays_trampoline_lowered:
0x8: {  	[smem:$0x3FA4] =	sst s0  }
0x9: {  	[smem:$0x3FA5] =	sst s1  }
0xa: {  	[smem:$0x3FA6] =	sst s2  }
0xb: {  	[smem:$0x3FA7] =	sst s3  }
0xc: {  	[smem:$0x3FA8] =	sst s4  }
0xd: {  	[smem:$0x3FA9] =	sst s5  }
0xe: {  	[smem:$0x3FAA] =	sst s6  }
0xf: {  	[smem:$0x3FAB] =	sst s7  }
0x10: {  	[smem:$0x3FAC] =	sst s8  }
0x11: {  	[smem:$0x3FAD] =	sst s9;
	s0 =	simm.s32 @!p0 $0x0  }
0x12: {  	s1 =	sld [smem:$0x3F93];
	s0 =	simm.s32 @p0 $0x1  }
0x13: {  	[smem:$0x3FAE] =	sst s0;
	s0 =	simm.s32 @!p1 $0x0  }
0x14: {  	s2 =	sld [smem:$0x3F92];
	s0 =	simm.s32 @p1 $0x1  }
0x15: {  	[smem:$0x3FAF] =	sst s0;
	s0 =	simm.s32 @!p2 $0x0  }
0x16: {  	s3 =	sld [smem:$0x3FDB];
	s0 =	simm.s32 @p2 $0x1  }
0x17: {  	s4 =	simm.s32 $0x1BF5;
	[smem:$0x3FB1] =	sst s0  }
0x18: {  	s0 =	sld [smem:$0x3F94];
	_ =	swait.ge [sflag:s4], $0x0  }
0x19: {  	s7 =	sld [smem:$0x3F95]  }
0x1a: {  	s8 =	sadd.s32 $0xFFFFE003, lr  }
0x1b: {  	s9 =	sadd.s32 $0xFFFFFEF7, lr;
	s5 =	simm.s32 $0xFFFFFFFF;
	p2 =	slt.u32 s8, $0xFFFFF086  }
0x1c: {  	p1 =	slt.u32 s9, $0xF7A;
	s5 =	simm.s32 @!p2 $0x0  }
0x1d: {  	s5 =	simm.s32 @p1 $0x1;
	p0 =	seq.s32 s7, s2  }
0x1e: {  	s7 =	smul.u32 @!p0 $0xF7A, s2;
	p2 =	seq.s32 @!p0 s5, $0x0  }
0x1f: {  	s9 =	smul.u32 $0xF7A, s1;
	s8 =	simm.s32 @!p0 $0x1BF5;
	p2 =	por !p2, p0  }
0x20: {  	[sflag:s8] =	ssyncset.s32 @!p0 $0xFFFFF086;
	s6 =	sadd.s32 @!p0 s3, s7;
	s7 =	simm.s32 @!p0 $0x108  }
0x21: {  	s3 =	sadd.s32 s3, s9;
	s6 =	sadd.s32 @!p0 $0x88, s6;
	s7 =	simm.s32 @p2 $0x1082  }
0x22: {  	[simem:s7], [sflag:s8] =	dma.local @!p0 [hbm:s6], $0xF7A  }
0x23: {  	s9 =	sor.u32 $0xD0000000, s2;
	s6 =	simm.s32 $0x108;
	_ =	swait.ge @!p0 [sflag:s8], $0x0  }
0x24: {  	s3 =	sadd.s32 $0x88, s3;
	s6 =	simm.s32 @!p1 $0x1082;
	[sflag:s4] =	ssyncset.s32 $0xFFFFF086  }
0x25: {  	[simem:s6], [sflag:s4] =	dma.local [hbm:s3], $0xF7A  }
0x26: {  	[smem:$0x3F95] =	sst s1;
	(tag) =	ssettag s2;
	_ =	strace s9  }
0x27: {  	s1 =	sld [smem:$0x3FA5]  }
0x28: {  	s2 =	sld [smem:$0x3FA6]  }
0x29: {  	s4 =	sld [smem:$0x3FA8]  }
0x2a: {  	p0 =	seq.s32 s5, $0x0;
	s5 =	sld [smem:$0x3FA9]  }
0x2b: {  	s6 =	sld [smem:$0x3FAA]  }
0x2c: {  	s7 =	sld [smem:$0x3FAB]  }
0x2d: {  	s3 =	simm.s32 $0x108;
	s8 =	sld [smem:$0x3FAC]  }
0x2e: {  	s3 =	simm.s32 @!p0 $0x1082;
	s9 =	sld [smem:$0x3FAD]  }
0x2f: {  	lr =	sadd.s32 s0, s3;
	s0 =	sld [smem:$0x3FA4]  }
0x30: {  	s3 =	sld [smem:$0x3FA7]  }
0x31: {  	[smem:$0x3FB0] =	sst s10  }
0x32: {  	s10 =	sld [smem:$0x3FAE];
	_ =	sdelay $0x3  }
0x33: {  	p0 =	seq.s32 s10, $0x1;
	s10 =	sld [smem:$0x3FB0];
	_ =	sdelay $0x3  }
0x34: {  	[smem:$0x3FB0] =	sst s10  }
0x35: {  	s10 =	sld [smem:$0x3FAF];
	_ =	sdelay $0x3  }
0x36: {  	p1 =	seq.s32 s10, $0x1;
	s10 =	sld [smem:$0x3FB0];
	_ =	sdelay $0x3  }
0x37: {  	[smem:$0x3FB0] =	sst s10  }
0x38: {  	s10 =	sld [smem:$0x3FB1]  }
0x39: {  	_ = 	snop;
	(pc) =	sbr.ind lr, $3  }
0x3a: {  	_ = 	snop  }
0x3b: {  	_ = 	snop  }
0x3c: {  	p2 =	seq.s32 s10, $0x1;
	s10 =	sld [smem:$0x3FB0]  }
0x3d: {  	_ =	shalt  }
0x3e: {  	_ =	shalt  }
0x3f: {  	_ =	shalt  }
0x40: {  	_ =	shalt  }
0x41: {  	_ =	shalt  }
0x42: {  	_ =	shalt  }
0x43: {  	_ =	shalt  }
0x44: {  	_ =	shalt  }
0x45: {  	_ =	shalt  }
0x46: {  	_ =	shalt  }
0x47: {  	_ =	shalt  }
0x48: {  	_ =	shalt  }
0x49: {  	_ =	shalt  }
0x4a: {  	_ =	shalt  }
0x4b: {  	_ =	shalt  }
0x4c: {  	_ =	shalt  }
0x4d: {  	_ =	shalt  }
0x4e: {  	_ =	shalt  }
0x4f: {  	_ =	shalt  }
0x50: {  	_ =	shalt  }
0x51: {  	_ =	shalt  }
0x52: {  	_ =	shalt  }
0x53: {  	_ =	shalt  }
0x54: {  	_ =	shalt  }
0x55: {  	_ =	shalt  }
0x56: {  	_ =	shalt  }
0x57: {  	_ =	shalt  }
0x58: {  	_ =	shalt  }
0x59: {  	_ =	shalt  }
0x5a: {  	_ =	shalt  }
0x5b: {  	_ =	shalt  }
0x5c: {  	_ =	shalt  }
0x5d: {  	_ =	shalt  }
0x5e: {  	_ =	shalt  }
0x5f: {  	_ =	shalt  }
0x60: {  	_ =	shalt  }
0x61: {  	_ =	shalt  }
0x62: {  	_ =	shalt  }
0x63: {  	_ =	shalt  }
0x64: {  	_ =	shalt  }
0x65: {  	_ =	shalt  }
0x66: {  	_ =	shalt  }
0x67: {  	_ =	shalt  }
0x68: {  	_ =	shalt  }
0x69: {  	_ =	shalt  }
0x6a: {  	_ =	shalt  }
0x6b: {  	_ =	shalt  }
0x6c: {  	_ =	shalt  }
0x6d: {  	_ =	shalt  }
0x6e: {  	_ =	shalt  }
0x6f: {  	_ =	shalt  }
0x70: {  	_ =	shalt  }
0x71: {  	_ =	shalt  }
0x72: {  	_ =	shalt  }
0x73: {  	_ =	shalt  }
0x74: {  	_ =	shalt  }
0x75: {  	_ =	shalt  }
0x76: {  	_ =	shalt  }
0x77: {  	_ =	shalt  }
0x78: {  	_ =	shalt  }
0x79: {  	_ =	shalt  }
0x7a: {  	_ =	shalt  }
0x7b: {  	_ =	shalt  }
0x7c: {  	_ =	shalt  }
0x7d: {  	_ =	shalt  }
0x7e: {  	_ =	shalt  }
0x7f: {  	_ =	shalt  }
0x80: {  	_ =	shalt  }
0x81: {  	_ =	shalt  }
0x82: {  	_ =	shalt  }
0x83: {  	_ =	shalt  }
0x84: {  	_ =	shalt  }
0x85: {  	_ =	shalt  }
0x86: {  	_ =	shalt  }
0x87: {  	_ =	shalt  }
.Lfunc_end0:
.L_simem_size_0:
called_computation.1_lowered:
.L_overlay_start_0:
0x88: {  	s2 =	sld [smem:$0x3FD9]  }
0x89: {  	s3 =	sld [smem:$0x3FFE];
	_ =	sdelay $0x1  }
0x8a: {  	s1 =	srdreg.scid  }
0x8b: {  	s0 =	sand.u32 $0x1, s1  }
0x8c: {  	s17 =	sshll.u32 s0, $0xA;
	s2 =	sadd.s32 s3, s2  }
0x8d: {  	s2 =	sadd.s32 s2, s17  }
0x8e: {  	[smem:$0x3FBC] =	sst s2  }
0x8f: {  	_ = 	snop  }
0x90: {  	s2 =	sld [smem:$0x3FD0];
	(tm) =	ssettm $0x1  }
0x91: {  	s18 =	sld [smem:$0x3FFB];
	_ =	sdelay $0x3  }
0x92: {  	_ =	strace s18  }
0x93: {  	s3 =	sld [smem:$0x3FFC];
	_ =	sdelay $0x3  }
0x94: {  	_ =	strace s3  }
0x95: {  	s3 =	sld [smem:$0x3FFD];
	_ =	sdelay $0x3  }
0x96: {  	_ =	strace s3  }
0x97: {  	_ =	strace $0x8FFFFFFF  }
0x98: {  	s19 =	sld [smem:$0x3FDB];
	_ =	sdelay $0x1  }
0x99: {  	s4 =	simm.s32 $_scs_section_size  }
0x9a: {  	s5 =	simm.s32 $_size__tile_overlayer_lowered;
	s6 =	simm.s32 $_tile_overlayer_lowered  }
0x9b: {  	s22 =	simm.s32 $0x1BFF;
	s21 =	sshll.u32 s6, $0x1;
	s3 =	sadd.s32 s4, s19  }
0x9c: {  	s7 =	simm.s32 $0x0;
	s20 =	sshll.u32 s5, $0x1;
	s5 =	sadd.s32 s21, s3  }
0x9d: {  	[timem:s7], [sflag:s22] =	dma.local [hbm:s5], s20  }
0x9e: {  	_ =	swait.ge [sflag:s22], s20  }
0x9f: {  	s4 =	ssub.s32 $0x0, s20;
	[sflag:s22] =	ssyncset.done $0x0  }
0xa0: {  	[sflag:s22] =	ssyncadd.s32 s4;
	_ =	sdelay $0x1  }
0xa1: {  	s23 =	simm.s32 $0x1B8B  }
0xa2: {  	_ =	swait.ge [sflag:s23], $0x1  }
0xa3: {  	[sflag:s23] =	ssyncset.done $0x0  }
0xa4: {  	s25 =	simm.s32 $0x1B8E;
	s24 =	sld [smem:$0x3FFE];
	[sflag:s23] =	ssyncadd.s32 $0xFFFFFFFF  }
0xa5: {  	s26 =	simm.s32 $execute0_lowered;
	[smem:$0x3FD2] =	sst s25  }
0xa6: {  	s5 =	sshll.u32 s26, $0x1;
	_ =	strace $0x80000049;
	[dreg:$0x1] =	wrdreg $0xFFFFFFFF  }
0xa7: {  	s28 =	simm.s32 $_size_execute0_lowered;
	s3 =	sadd.s32 s3, s5;
	[dreg:$0x0] =	wrdreg $0x0  }
0xa8: {  	s5 =	sshll.u32 s28, $0x1;
	[dreg:$0x2] =	wrdreg s3  }
0xa9: {  	[dreg:$0x3] =	wrdreg s5  }
0xaa: {  	[dreg:$0x4] =	wrdreg $0xC0  }
0xab: {  	_ =	task [dreg:s7], $0x5FFFF  }
0xac: {  	[dreg:$0x1] =	wrdreg $0xFFFFFFFF  }
0xad: {  	[dreg:$0x0] =	wrdreg $0x60  }
0xae: {  	[dreg:$0x2] =	wrdreg s24  }
0xaf: {  	[dreg:$0x3] =	wrdreg s2  }
0xb0: {  	[dreg:$0x4] =	wrdreg $0xA9000  }
0xb1: {  	[dreg:$0x5] =	wrdreg $0x9  }
0xb2: {  	_ =	task.clear_ibuf [dreg:s7], $0x6FFFF;
	_ =	strace $0x90000049  }
0xb3: {  	s29 =	simm.s32 $0x9;
	_ =	strace $0x8000004B  }
0xb4: {  	_ =	swait.ge [sflag:s29], $0x1  }
0xb5: {  	[sflag:s29] =	ssyncadd.s32 $0xFFFFFFFF  }
0xb6: {  	_ =	strace $0x9000004B  }
0xb7: {  	_ =	sfence  }
0xb8: {  	s30 =	sld [smem:$0x0];
	_ =	sdelay $0x2  }
0xb9: {  	s31 =	sshll.u32 s1, $0xD;
	s1 =	sshrl.u32 s1, $0x2  }
0xba: {  	s3 =	sand.u32 $0x4000, s31;
	s1 =	sadd.s32 s1, s30  }
0xbb: {  	s0 =	sor.u32 s3, s0;
	s1 =	sshll.u32 s1, $0x11  }
0xbc: {  	s0 =	sor.u32 s1, s0  }
0xbd: {  	s0 =	sadd.s32 $0x8F2B, s0  }
0xbe: {  	[sflag:s0] =	ssyncadd.remote.s32 $0x1  }
0xbf: {  	_ =	sfence.sel $0xFFFF  }
0xc0: {  	[dreg:$0x0] =	wrdreg $0xFFFFFFFF;
	(pc) =	sbr.abs _section_cstart, $3  }
0xc1: {  	[dreg:$0x1] =	wrdreg $0xFFFFFFFF  }
0xc2: {  	_ =	task.clear_ibuf [dreg:s7], $0x2FFFF;
	_ =	strace $0x9FFFFFFF  }
0xc3: {  	(tm) =	ssettm $0x7FFFFFFF  }
tec
execute0_lowered:
.L_overlay_start_1:
0x0: {  	(tag) =	ssettag $0x1  }
0x1: {  	s0 =	rddreg [dreg:$0x0]  }
0x2: {  	s2 =	rddreg [dreg:$0x1]  }
0x3: {  	s1 =	srdreg.scid;
	s11 =	stileid.u32  }
0x4: {  	s3 =	rddreg [dreg:$0x2];
	s4 =	simm.s32 $0x0;
	s7 =	smul.u32 $0x13C00, s11  }
0x5: {  	s28 =	simm.s32 $0x1;
	s29 =	simm.s32 $0x3;
	s8 =	smul.u32 $0x4F000, s11  }
0x6: {  	s30 =	simm.s32 $0x2;
	s1 =	sand.u32 $0x1, s1;
	s18 =	smul.u32 $0x4E20, s11  }
0x7: {  	s5 =	sshll.u32 s11, $0x1;
	[smem:$0x7FF] =	sst s4;
	s6 =	smul.u32 $0x13C000, s1  }
0x8: {  	s5 =	sor.u32 s1, s5;
	s10 =	ssub.s32 $0x2, s1;
	s1 =	smul.u32 $0x2710, s1  }
0x9: {  	s31 =	simm.s32 $0x4;
	_ =	strace $0x8000004A;
	s5 =	smul.u32 $0x2710, s5  }
0xa: {  	s17 =	sshrl.u32 s8, $0x2;
	s19 =	sshrl.u32 s10, $0x1;
	s6 =	sadd.s32 s7, s6  }
0xb: {  	s10 =	ssub.s32 s10, s19;
	s1 =	sadd.s32 s1, s18;
	s19 =	simm.s32 $0x6900  }
0xc: {  	s16 =	sshrl.u32 s5, $0x3;
	s6 =	sshrl.u32 s6, $0x3;
	s5 =	sadd.s32 $0x2000, s0  }
0xd: {  	s25 =	sadd.s32 $0x180, s1;
	s18 =	sadd.s32 $0x100, s1;
	s1 =	simm.s32 $0x6  }
0xe: {  	s9 =	sadd.s32 s16, s0;
	s0 =	sadd.s32 s6, s0;
	s6 =	sadd.s32 s17, s3  }
0xf: {  	s12 =	sadd.s32 s5, s16;
	s7 =	sshrl.u32 s25, $0x3;
	s20 =	sadd.s32 $0x4000, s6  }
0x10: {  	s16 =	smax.u32 s10, $0x1;
	s21 =	sadd.s32 $0x8000, s6;
	[dreg:$0x4] =	wrdreg s20  }
0x11: {  	s25 =	simm.s32 $0x5;
	s22 =	sadd.s32 $0xC000, s6;
	[dreg:$0x5] =	wrdreg s21  }
0x12: {  	s23 =	sadd.s32 $0x10000, s6;
	s24 =	sadd.s32 $0xBE00, s9;
	[dreg:$0x6] =	wrdreg s22  }
0x13: {  	s26 =	sadd.s32 $0x10, s12;
	s14 =	sadd.s32 $0x4E0, s12;
	[dreg:$0x7] =	wrdreg s23  }
0x14: {  	s15 =	sadd.s32 $0x15C00, s0;
	s17 =	sadd.s32 s7, s5;
	[dreg:$0x8] =	wrdreg s24  }
0x15: {  	s0 =	simm.s32 $0x10;
	s7 =	simm.s32 $0x0;
	[dreg:$0x9] =	wrdreg s26  }
0x16: {  	s20 =	simm.s32 $0x7;
	s21 =	simm.s32 $0x2780;
	s22 =	simm.s32 $0x2800  }
0x17: {  	v0 =	vimm.f32 $0.0e+00;
	s23 =	simm.s32 $0x2900;
	s24 =	simm.s32 $0x2880;
	s26 =	simm.s32 $0x80  }
.LBB2_1:
0x18: {  	s8 =	simm.s32 $0x0;
	s9 =	simm.s32 $0x200  }
.LBB2_2:
0x19: {  	p0 =	sne.s32 s9, $0xFE00;
	[tilespmem:s8+$0x6970] =	vst v0  }
0x1a: {  	[tilespmem:s8+$0x6900] =	vst v0  }
0x1b: {  	[tilespmem:s8+$0x6910] =	vst v0  }
.Ltmp0:
0x1c: {  	[tilespmem:s8+$0x6920] =	vst v0;
	(pc) =	sbr.rel @p0 .LBB2_2-.Ltmp0, $4  }
0x1d: {  	[tilespmem:s8+$0x6930] =	vst v0  }
0x1e: {  	[tilespmem:s8+$0x6940] =	vst v0  }
0x1f: {  	[tilespmem:s8+$0x6950] =	vst v0  }
0x20: {  	[tilespmem:s8+$0x6960] =	vst v0;
	s8 =	sshra.s32 s9, $0x2;
	s9 =	sadd.s32 $0x200, s9  }
0x21: {  	[tilespmem:s8+$0x6970] =	vst v0  }
0x22: {  	[tilespmem:s8+$0x6900] =	vst v0  }
0x23: {  	[tilespmem:s8+$0x6910] =	vst v0  }
0x24: {  	[tilespmem:s8+$0x6920] =	vst v0  }
0x25: {  	[tilespmem:s8+$0x6930] =	vst v0  }
0x26: {  	[tilespmem:s8+$0x6940] =	vst v0  }
0x27: {  	[tilespmem:s8+$0x6950] =	vst v0  }
0x28: {  	[tilespmem:s8+$0x6960] =	vst v0  }
0x29: {  	[spmem:s6] =	stream.linear.scatter [tilespmem:s19], [sflag:$0x5], $0x4000, $0x38;
	[tilespmem:$0x1E500] =	vst v63  }
0x2a: {  	s11 =	rddreg [dreg:$0x4]  }
0x2b: {  	[spmem:s11] =	stream.linear.scatter [tilespmem:s19], [sflag:$0x5], $0x4000, $0x38;
	[tilespmem:$0x1E500] =	vst v63  }
0x2c: {  	s13 =	rddreg [dreg:$0x5]  }
0x2d: {  	[spmem:s13] =	stream.linear.scatter [tilespmem:s19], [sflag:$0x5], $0x4000, $0x38;
	[tilespmem:$0x1E500] =	vst v63  }
0x2e: {  	s9 =	rddreg [dreg:$0x6]  }
0x2f: {  	[spmem:s9] =	stream.linear.scatter [tilespmem:s19], [sflag:$0x5], $0x4000, $0x38;
	[tilespmem:$0x1E500] =	vst v63  }
0x30: {  	s10 =	rddreg [dreg:$0x7]  }
0x31: {  	[spmem:s10] =	stream.linear.scatter [tilespmem:s19], [sflag:$0x5], $0x3C00, $0x38;
	[tilespmem:$0x1E500] =	vst v63  }
0x32: {  	s11 =	simm.s32 $0x0;
	s9 =	rddreg [dreg:$0x8]  }
0x33: {  	[tilespmem:s11], [sflag:$0x7] =	stream.linear.gather [hbm4b:s9+s11], $0x2710, $0x38;
	[tilespmem:$0x1E500] =	vst v63  }
0x34: {  	_ =	swait.ge [sflag:s20], $0x2710  }
0x35: {  	[sflag:s20] =	ssyncset.done $0x0  }
0x36: {  	[sflag:s20] =	ssyncadd.s32 $0xFFFFD8F0  }
0x37: {  	[tilespmem:s21], [sflag:$0x3] =	stream.linear.gather [hbm4b:s12+s11], $0x80, $0x38;
	[tilespmem:$0x1E500] =	vst v63  }
0x38: {  	s13 =	rddreg [dreg:$0x9]  }
0x39: {  	[tilespmem:s22], [sflag:$0x4] =	stream.linear.gather [hbm4b:s13+s11], $0x80, $0x38;
	[tilespmem:$0x1E500] =	vst v63  }
0x3a: {  	s10 =	simm.s32 $0x80  }
0x3b: {  	[tilespmem:s23], [sflag:$0x1] =	stream.indirect.gather [hbm4b:s2+s10], $0x80, s11, s10, $0xb8;
	[tilespmem:$0x1E500] =	vst v63  }
0x3c: {  	_ = 	snop  }
0x3d: {  	[tilespmem:s24], [sflag:$0x6] =	stream.linear.gather [hbm4b:s14+s11], $0x10, $0x38;
	[tilespmem:$0x1E500] =	vst v63  }
0x3e: {  	_ =	swait.ge [sflag:s25], $0x4000  }
0x3f: {  	[sflag:s25] =	ssyncset.done $0x0  }
0x40: {  	[sflag:s25] =	ssyncadd.s32 $0xFFFFC000  }
0x41: {  	_ =	swait.ge [sflag:s25], $0x4000  }
0x42: {  	[sflag:s25] =	ssyncset.done $0x0  }
0x43: {  	[sflag:s25] =	ssyncadd.s32 $0xFFFFC000  }
0x44: {  	_ =	swait.ge [sflag:s25], $0x4000  }
0x45: {  	[sflag:s25] =	ssyncset.done $0x0  }
0x46: {  	[sflag:s25] =	ssyncadd.s32 $0xFFFFC000  }
0x47: {  	_ =	swait.ge [sflag:s25], $0x4000  }
0x48: {  	[sflag:s25] =	ssyncset.done $0x0  }
0x49: {  	[sflag:s25] =	ssyncadd.s32 $0xFFFFC000  }
0x4a: {  	_ =	swait.ge [sflag:s25], $0x3C00  }
0x4b: {  	[sflag:s25] =	ssyncset.done $0x0  }
0x4c: {  	[sflag:s25] =	ssyncadd.s32 $0xFFFFC400  }
0x4d: {  	[bflag:$0x0] =	sbarrier.arrive $0xFFFF  }
0x4e: {  	[tilespmem:s19], [sflag:$0x2] =	stream.indirect.gather [hbm4b:s2+s26], $0x80, s10, s26, $0xb8;
	[tilespmem:$0x1E500] =	vst v63  }
0x4f: {  	_ =	swait.ge [sflag:s28], $0x4000  }
0x50: {  	[sflag:s28] =	ssyncset.done $0x0  }
0x51: {  	[sflag:s28] =	ssyncadd.s32 $0xFFFFC000  }
0x52: {  	_ =	swait.ge [sflag:s29], $0x80  }
0x53: {  	[sflag:s29] =	ssyncset.done $0x0  }
0x54: {  	[sflag:s29] =	ssyncadd.s32 $0xFFFFFF80  }
0x55: {  	[spmem:s3] =	stream.indirect.scatter.add.f32 [tilespmem:s23], [sflag:$0x7], $0x80, s21, s26, $0xb8;
	[tilespmem:$0x1E500] =	vst v63  }
0x56: {  	_ =	swait.ge [sflag:s20], $0x4000  }
0x57: {  	s11 =	sshrl.u32 s18, $0x3;
	[sflag:s20] =	ssyncset.done $0x0  }
0x58: {  	s8 =	sadd.s32 s5, s11;
	[sflag:s20] =	ssyncadd.s32 $0xFFFFC000  }
0x59: {  	[tilespmem:s21], [sflag:$0x3] =	stream.linear.gather [hbm4b:s8+s4], $0x80, $0x38;
	[tilespmem:$0x1E500] =	vst v63  }
0x5a: {  	s13 =	simm.s32 $0x100  }
0x5b: {  	[tilespmem:s23], [sflag:$0x1] =	stream.indirect.gather [hbm4b:s2+s26], $0x80, s13, s26, $0xb8;
	[tilespmem:$0x1E500] =	vst v63  }
0x5c: {  	_ =	swait.ge [sflag:s30], $0x4000  }
0x5d: {  	[sflag:s30] =	ssyncset.done $0x0  }
0x5e: {  	[sflag:s30] =	ssyncadd.s32 $0xFFFFC000  }
0x5f: {  	_ =	swait.ge [sflag:s31], $0x80  }
0x60: {  	[sflag:s31] =	ssyncset.done $0x0  }
0x61: {  	[sflag:s31] =	ssyncadd.s32 $0xFFFFFF80  }
0x62: {  	[spmem:s3] =	stream.indirect.scatter.add.f32 [tilespmem:s19], [sflag:$0x7], $0x80, s22, s26, $0xb8;
	[tilespmem:$0x1E500] =	vst v63  }
0x63: {  	_ =	swait.ge [sflag:s20], $0x4000  }
0x64: {  	s9 =	sadd.s32 $0x100, s18;
	s11 =	sadd.s32 $0x0, s17;
	[sflag:s20] =	ssyncset.done $0x0  }
0x65: {  	s10 =	simm.s32 $0x180;
	s8 =	simm.s32 $0x20;
	[sflag:s20] =	ssyncadd.s32 $0xFFFFC000  }
.LBB2_4:
0x66: {  	[tilespmem:s22], [sflag:$0x4] =	stream.linear.gather [hbm4b:s11+s4], $0x80, $0x38;
	[tilespmem:$0x1E500] =	vst v63  }
0x67: {  	p0 =	sne.s32 s8, $0x4A0;
	s11 =	smov.u32 s8;
	s8 =	sadd.s32 $0x20, s8  }
0x68: {  	[tilespmem:s19], [sflag:$0x2] =	stream.indirect.gather [hbm4b:s2+s26], $0x80, s10, s26, $0xb8;
	[tilespmem:$0x1E500] =	vst v63  }
0x69: {  	_ =	swait.ge [sflag:s28], $0x4000  }
0x6a: {  	[sflag:s28] =	ssyncset.done $0x0  }
0x6b: {  	[sflag:s28] =	ssyncadd.s32 $0xFFFFC000  }
0x6c: {  	_ =	swait.ge [sflag:s29], $0x80  }
0x6d: {  	[sflag:s29] =	ssyncset.done $0x0  }
0x6e: {  	[sflag:s29] =	ssyncadd.s32 $0xFFFFFF80  }
0x6f: {  	[spmem:s3] =	stream.indirect.scatter.add.f32 [tilespmem:s23], [sflag:$0x7], $0x80, s21, s26, $0xb8;
	[tilespmem:$0x1E500] =	vst v63  }
0x70: {  	_ =	swait.ge [sflag:s20], $0x4000  }
0x71: {  	s13 =	sshrl.u32 s9, $0x3;
	[sflag:s20] =	ssyncset.done $0x0  }
0x72: {  	s13 =	sadd.s32 s5, s13;
	[sflag:s20] =	ssyncadd.s32 $0xFFFFC000  }
0x73: {  	[tilespmem:s21], [sflag:$0x3] =	stream.linear.gather [hbm4b:s13+s4], $0x80, $0x38;
	[tilespmem:$0x1E500] =	vst v63  }
0x74: {  	s13 =	sadd.s32 $0x80, s10  }
0x75: {  	[tilespmem:s23], [sflag:$0x1] =	stream.indirect.gather [hbm4b:s2+s26], $0x80, s13, s26, $0xb8;
	[tilespmem:$0x1E500] =	vst v63  }
0x76: {  	_ =	swait.ge [sflag:s30], $0x4000  }
0x77: {  	[sflag:s30] =	ssyncset.done $0x0  }
0x78: {  	[sflag:s30] =	ssyncadd.s32 $0xFFFFC000  }
0x79: {  	_ =	swait.ge [sflag:s31], $0x80  }
0x7a: {  	[sflag:s31] =	ssyncset.done $0x0  }
.Ltmp1:
0x7b: {  	[sflag:s31] =	ssyncadd.s32 $0xFFFFFF80;
	(pc) =	sbr.rel @p0 .LBB2_4-.Ltmp1, $4  }
0x7c: {  	[spmem:s3] =	stream.indirect.scatter.add.f32 [tilespmem:s19], [sflag:$0x7], $0x80, s22, s26, $0xb8;
	[tilespmem:$0x1E500] =	vst v63  }
0x7d: {  	_ =	swait.ge [sflag:s20], $0x4000  }
0x7e: {  	s9 =	sadd.s32 $0x100, s9;
	[sflag:s20] =	ssyncset.done $0x0  }
0x7f: {  	s11 =	sadd.s32 s11, s17;
	s10 =	sadd.s32 $0x100, s10;
	[sflag:s20] =	ssyncadd.s32 $0xFFFFC000  }
0x80: {  	[tilespmem:s22], [sflag:$0x4] =	stream.linear.gather [hbm4b:s11+s4], $0x80, $0x38;
	[tilespmem:$0x1E500] =	vst v63  }
0x81: {  	s8 =	simm.s32 $0x2680  }
0x82: {  	[tilespmem:s19], [sflag:$0x2] =	stream.indirect.gather [hbm4b:s2+s26], $0x80, s8, s26, $0xb8;
	[tilespmem:$0x1E500] =	vst v63  }
0x83: {  	_ =	swait.ge [sflag:s28], $0x4000  }
0x84: {  	[sflag:s28] =	ssyncset.done $0x0  }
0x85: {  	[sflag:s28] =	ssyncadd.s32 $0xFFFFC000  }
0x86: {  	_ =	swait.ge [sflag:s29], $0x80  }
0x87: {  	[sflag:s29] =	ssyncset.done $0x0  }
0x88: {  	[sflag:s29] =	ssyncadd.s32 $0xFFFFFF80  }
0x89: {  	[spmem:s3] =	stream.indirect.scatter.add.f32 [tilespmem:s23], [sflag:$0x7], $0x80, s21, s26, $0xb8;
	[tilespmem:$0x1E500] =	vst v63  }
0x8a: {  	_ =	swait.ge [sflag:s20], $0x4000  }
0x8b: {  	[sflag:s20] =	ssyncset.done $0x0  }
0x8c: {  	[sflag:s20] =	ssyncadd.s32 $0xFFFFC000  }
0x8d: {  	_ =	swait.ge [sflag:s30], $0x4000  }
0x8e: {  	[sflag:s30] =	ssyncset.done $0x0  }
0x8f: {  	[sflag:s30] =	ssyncadd.s32 $0xFFFFC000  }
0x90: {  	_ =	swait.ge [sflag:s31], $0x80  }
0x91: {  	[sflag:s31] =	ssyncset.done $0x0  }
0x92: {  	[sflag:s31] =	ssyncadd.s32 $0xFFFFFF80  }
0x93: {  	[spmem:s3] =	stream.indirect.scatter.add.f32 [tilespmem:s19], [sflag:$0x7], $0x80, s22, s26, $0xb8;
	[tilespmem:$0x1E500] =	vst v63  }
0x94: {  	_ =	swait.ge [sflag:s20], $0x4000  }
0x95: {  	[sflag:s20] =	ssyncset.done $0x0  }
0x96: {  	[sflag:s20] =	ssyncadd.s32 $0xFFFFC000  }
0x97: {  	_ =	swait.ge [sflag:s1], $0x10  }
0x98: {  	[sflag:s1] =	ssyncset.done $0x0  }
0x99: {  	s11 =	simm.s32 $0x2700;
	[sflag:s1] =	ssyncadd.s32 $0xFFFFFFF0  }
0x9a: {  	[tilespmem:s23], [sflag:$0x1] =	stream.indirect.gather [hbm4b:s2+s0], $0x80, s11, s0, $0xb8;
	[tilespmem:$0x1E500] =	vst v63  }
0x9b: {  	_ =	swait.ge [sflag:s28], $0x800  }
0x9c: {  	[sflag:s28] =	ssyncset.done $0x0  }
0x9d: {  	[sflag:s28] =	ssyncadd.s32 $0xFFFFF800  }
0x9e: {  	[spmem:s3] =	stream.indirect.scatter.add.f32 [tilespmem:s23], [sflag:$0x7], $0x80, s24, s0, $0xb8;
	[tilespmem:$0x1E500] =	vst v63  }
0x9f: {  	s13 =	stileid.u32;
	_ =	swait.ge [sflag:s20], $0x800  }
0xa0: {  	s9 =	sshrl.u32 s6, $0x3;
	s7 =	sadd.s32 $0x1, s7;
	[sflag:s20] =	ssyncset.done $0x0  }
0xa1: {  	p0 =	sne.s32 s7, s16;
	s8 =	sshll.u32 s13, $0x6;
	[sflag:s20] =	ssyncadd.s32 $0xFFFFF800  }
.Ltmp2:
0xa2: {  	s8 =	sor.u32 $0x1C07, s8;
	[bflag:$0x0] =	sbarrier.arrive $0xFFFF;
	(pc) =	sbr.rel @p0 .LBB2_1-.Ltmp2, $4  }
0xa3: {  	[hbm:s15], [sflag:s8] =	dma.local [spmem:s9], $0x2780  }
0xa4: {  	_ =	swait.ge [sflag:s20], $0x2780  }
0xa5: {  	[sflag:s20] =	ssyncset.done $0x0  }
0xa6: {  	[sflag:s20] =	ssyncadd.s32 $0xFFFFD880  }
0xa7: {  	_ =	sfence.sel $0x180000  }
0xa8: {  	[bflag:$0x0] =	sbarrier.arrive $0xFFFF  }
0xa9: {  	_ =	strace $0x9000004A  }
0xaa: {  	s0 =	stileid.u32;
	[bflag:$0x2] =	sbarrier.arrive $0xFFFF  }
0xab: {  	p0 =	sne.s32 s0, $0x0;
	s0 =	rddreg [dreg:$0x3]  }
0xac: {  	s0 =	sadd.s32 @!p0 $0x100000, s0  }
0xad: {  	[sflag:s0] =	ssyncadd.tile.s32 @!p0 $0x1;
	_ =	shalt  }
.Lfunc_end2:
_tile_overlayer_lowered:
.L_overlay_start_2:
0xae: {  	(tag) =	ssettag $0x2  }
0xaf: {  	s0 =	rddreg [dreg:$0x0];
	s2 =	stileid.u32  }
0xb0: {  	s1 =	rddreg [dreg:$0x1];
	p0 =	sne.s32 s2, $0x0  }
0xb1: {  	s3 =	rddreg [dreg:$0x2];
	[bflag:$0x3] =	sbarrier.arrive $0xFFFF;
	s2 =	simm.s32 @!p0 $0x1C07  }
0xb2: {  	[timem:s3], [sflag:s2] =	dma.local @!p0 [hbm:s0], s1  }
0xb3: {  	s0 =	simm.s32 @!p0 $0x7  }
0xb4: {  	_ =	swait.ge @!p0 [sflag:s0], s1  }
0xb5: {  	s1 =	ssub.s32 @!p0 $0x0, s1;
	[sflag:s0] =	ssyncset.done @!p0 $0x0  }
0xb6: {  	[sflag:s0] =	ssyncadd.s32 @!p0 s1  }
0xb7: {  	[bflag:$0x3] =	sbarrier.arrive $0xFFFF  }
0xb8: {  	_ =	shalt  }

</sc_bundles>
